<compile_context>
chip_gen: v7x
topology: tpu7x:2x2x1
jax: 0.10.2.dev20260603
libtpu: 0.0.44.dev20260713+nightly
codegen_flags: <defaults>
</compile_context>

<pallas_src>
import functools

import jax
import jax.numpy as jnp
from jax import lax
from jax.experimental import pallas as pl
from jax.experimental.pallas import tpu as pltpu
from jax.experimental.pallas import tpu_sc as plsc

B = 4096
L = 50
UD = 64
CW = 256
NI = 1024
BN_SCALE = (1.0 + 1e-3) ** -0.5
NW = 32
RPW = B // NW
HPASS = RPW // 2
USER_PAIRS = 50000
MLP_BB = 1024

_SC_PARAMS = pltpu.CompilerParams(needs_layout_passes=False,
                                  use_tc_tiling_on_sc=False)


def _combine_body(it_ref, ct_ref, cl_ref, b16_ref,
                  out_ref, hi_ref, lo_ref):
    cl = cl_ref[...]
    iota = lax.broadcasted_iota(jnp.int32, (NI, 64), 1)
    oh = (cl == iota).astype(jnp.float32)
    cate_part = jnp.dot(oh, ct_ref[...], preferred_element_type=jnp.float32,
                        precision=lax.Precision.HIGHEST)
    comb = jnp.concatenate(
        [it_ref[...], cate_part, b16_ref[...],
         jnp.zeros((NI, CW - 144), jnp.float32)], axis=1)
    out_ref[...] = comb.reshape(NI * CW)
    c128 = jnp.concatenate([it_ref[...], cate_part], axis=1)
    hi = c128.astype(jnp.bfloat16)
    hi_ref[...] = hi
    lo_ref[...] = (c128 - hi.astype(jnp.float32)).astype(jnp.bfloat16)


_combine = pl.pallas_call(
    _combine_body,
    out_shape=[
        jax.ShapeDtypeStruct((NI * CW,), jnp.float32),
        jax.ShapeDtypeStruct((NI, 128), jnp.bfloat16),
        jax.ShapeDtypeStruct((NI, 128), jnp.bfloat16),
    ],
)


def _sc_hist_body(histf_hbm, item_hbm, comb_hbm, countsf_out, ijoin_out,
                  histf_v, cntf_v, iidx_v, irows_v, sem, sem2):
    wid = lax.axis_index("s") * 2 + lax.axis_index("c")
    base = wid * RPW
    pltpu.sync_copy(item_hbm.at[pl.ds(base, RPW)], iidx_v)
    cp_i = pltpu.async_copy(comb_hbm.at[iidx_v], irows_v, sem2)
    pltpu.sync_copy(histf_hbm.at[pl.ds(base * L, RPW * L)], histf_v)
    zeros16 = jnp.zeros((16,), jnp.float32)
    ones16 = jnp.ones((16,), jnp.float32)
    iota16 = lax.broadcasted_iota(jnp.int32, (16,), 0)
    i50 = iota16 * L
    icnt = iota16 * NI
    for p in range(2):
        def zero_body(i, _):
            for u in range(64):
                cntf_v[pl.ds(i * 1024 + u * 16, 16)] = zeros16
            return 0
        lax.fori_loop(0, HPASS * NI // 1024, zero_body, 0)

        def scat_body(j, _):
            for g in range(HPASS // 16):
                row_off = p * HPASS + g * 16
                hv = plsc.load_gather(histf_v, [i50 + (row_off * L + j)])
                plsc.addupdate_scatter(cntf_v, [icnt + (hv + g * 16 * NI)],
                                       ones16)
            return 0
        lax.fori_loop(0, L, scat_body, 0)
        pltpu.async_copy(
            cntf_v,
            countsf_out.at[pl.ds((base + p * HPASS) * NI, HPASS * NI)],
            sem).wait()
    cp_i.wait()
    pltpu.sync_copy(irows_v, ijoin_out.at[pl.ds(base, RPW)])


def _sc_hist(histf, item, combined):
    mesh = plsc.VectorSubcoreMesh(core_axis_name="c", subcore_axis_name="s")
    f = functools.partial(
        pl.kernel,
        out_type=(
            jax.ShapeDtypeStruct((B * NI,), jnp.float32),
            jax.ShapeDtypeStruct((B, CW), jnp.float32),
        ),
        mesh=mesh,
        compiler_params=_SC_PARAMS,
        scratch_types=[
            pltpu.VMEM((RPW * L,), jnp.int32),
            pltpu.VMEM((HPASS * NI,), jnp.float32),
            pltpu.VMEM((RPW,), jnp.int32),
            pltpu.VMEM((RPW, CW), jnp.float32),
            pltpu.SemaphoreType.DMA,
            pltpu.SemaphoreType.DMA,
        ],
    )(_sc_hist_body)
    return f(histf, item, combined)


def _sc_gather_body(user_hbm, utable_hbm, uemb_out, uidx_v, uidx2_v,
                    urows_v, sem):
    wid = lax.axis_index("s") * 2 + lax.axis_index("c")
    base = wid * RPW
    pltpu.sync_copy(user_hbm.at[pl.ds(base, RPW)], uidx_v)
    for i in range(RPW // 16):
        uidx2_v[pl.ds(i * 16, 16)] = lax.shift_right_logical(
            uidx_v[pl.ds(i * 16, 16)], 1)
    pltpu.async_copy(utable_hbm.at[uidx2_v], urows_v, sem).wait()
    pltpu.sync_copy(urows_v, uemb_out.at[pl.ds(base, RPW)])


def _sc_gather(user, user_table2):
    mesh = plsc.VectorSubcoreMesh(core_axis_name="c", subcore_axis_name="s")
    f = functools.partial(
        pl.kernel,
        out_type=jax.ShapeDtypeStruct((B, 128), jnp.float32),
        mesh=mesh,
        compiler_params=_SC_PARAMS,
        scratch_types=[
            pltpu.VMEM((RPW,), jnp.int32),
            pltpu.VMEM((RPW,), jnp.int32),
            pltpu.VMEM((RPW, 128), jnp.float32),
            pltpu.SemaphoreType.DMA,
        ],
    )(_sc_gather_body)
    return f(user, user_table2)


def _mlp_body(uemb2_ref, ucol_ref, ijoin_ref, cntf_ref, len_ref, hi_ref,
              lo_ref, hW_ref, hb_ref, w1_ref, b1_ref, w2_ref, b2_ref,
              w3_ref, b3_ref, out_ref, logit_ref):
    cnt_bf = cntf_ref[...].reshape(MLP_BB, NI).astype(jnp.bfloat16)
    hist_sum = (jnp.dot(cnt_bf, hi_ref[...], preferred_element_type=jnp.float32)
                + jnp.dot(cnt_bf, lo_ref[...],
                          preferred_element_type=jnp.float32))
    lc = len_ref[...]
    scale = (lc > 0.0).astype(jnp.float32) / lc
    hist_avg = hist_sum * scale
    hist_hid = jnp.dot(hist_avg * BN_SCALE, hW_ref[...],
                       preferred_element_type=jnp.float32) + hb_ref[...].reshape(1, 128)
    ijoin = ijoin_ref[...]
    uemb2 = uemb2_ref[...]
    odd = (ucol_ref[...] & 1) == 1
    uemb = jnp.where(odd, uemb2[:, UD:], uemb2[:, :UD])
    s = jnp.dot(uemb * BN_SCALE, w1_ref[:UD, :],
                preferred_element_type=jnp.float32)
    s += jnp.dot(ijoin[:, :128] * BN_SCALE, w1_ref[UD:UD + 128, :],
                 preferred_element_type=jnp.float32)
    s += jnp.dot(hist_hid * BN_SCALE, w1_ref[UD + 128:, :],
                 preferred_element_type=jnp.float32)
    h1 = jax.nn.sigmoid(s + b1_ref[...].reshape(1, 80))
    h2 = jax.nn.sigmoid(jnp.dot(h1, w2_ref[...],
                                preferred_element_type=jnp.float32)
                        + b2_ref[...].reshape(1, 40))
    out = (jnp.dot(h2, w3_ref[...], preferred_element_type=jnp.float32)
           + b3_ref[...].reshape(1, 1) + ijoin[:, 128:129])
    out_ref[...] = out.reshape(MLP_BB)
    logit_ref[...] = jax.nn.sigmoid(out).reshape(MLP_BB)


def _mlp(uemb2, ucol, ijoin, countsf, lencol, comb_hi, comb_lo, hist_W,
         hist_b, fc1_W, fc1_b, fc2_W, fc2_b, fc3_W, fc3_b):
    BB = MLP_BB
    grid = B // BB
    blk = lambda r, c: pl.BlockSpec((BB, c), lambda i: (i, 0))
    full = lambda r, c: pl.BlockSpec((r, c), lambda i: (0, 0))
    vec = lambda n: pl.BlockSpec((n,), lambda i: (0,))
    return pl.pallas_call(
        _mlp_body,
        grid=(grid,),
        in_specs=[
            blk(B, 128), blk(B, 1), blk(B, CW),
            pl.BlockSpec((BB * NI,), lambda i: (i,)), blk(B, 1),
            full(NI, 128), full(NI, 128), full(128, 128), vec(128),
            full(320, 80), vec(80), full(80, 40), vec(40), full(40, 1),
            vec(1),
        ],
        out_specs=[pl.BlockSpec((BB,), lambda i: (i,)),
                   pl.BlockSpec((BB,), lambda i: (i,))],
        out_shape=[
            jax.ShapeDtypeStruct((B,), jnp.float32),
            jax.ShapeDtypeStruct((B,), jnp.float32),
        ],
    )(uemb2, ucol, ijoin, countsf, lencol, comb_hi, comb_lo, hist_W, hist_b,
      fc1_W, fc1_b, fc2_W, fc2_b, fc3_W, fc3_b)


def kernel(user, item, history, length, user_table, item_table, cate_table,
           item_bias, cate_list, hist_W, hist_b, fc1_W, fc1_b, fc2_W, fc2_b,
           fc3_W, fc3_b):
    itp = jnp.pad(item_table, ((0, NI - 1000), (0, 0)))
    clp = jnp.pad(cate_list, (0, NI - 1000)).reshape(NI, 1)
    b16 = jnp.pad(item_bias.reshape(-1, 1), ((0, NI - 1000), (0, 15)))
    combf, comb_hi, comb_lo = _combine(itp, cate_table, clp, b16)
    combined = combf.reshape(NI, CW)

    countsf, ijoin = _sc_hist(history.reshape(-1), item, combined)
    uemb2 = _sc_gather(user, user_table.reshape(USER_PAIRS, 128))

    lencol = length.reshape(B, 1).astype(jnp.float32)
    ucol = user.reshape(B, 1)
    out1, logit1 = _mlp(uemb2, ucol, ijoin, countsf, lencol, comb_hi,
                        comb_lo, hist_W, hist_b, fc1_W, fc1_b, fc2_W, fc2_b,
                        fc3_W, fc3_b)
    return out1, logit1

# --- scband reference (transcript-rebuilt; emitter-appended) ---
"""Pipeline reference for scband-base-24094766530910 (READ-ONLY COPY).

The authoritative reference and input builder live on the scoring server;
editing this copy changes nothing except your own understanding.
"""

import jax, jax.numpy as jnp
import numpy as np

B = 4096
L = 50
USER_COUNT = 100000
ITEM_COUNT = 1000
CATE_COUNT = 64
UD = 64
ID = 64
CD = 64
BN_EPS = 1e-3


def setup_inputs(seed: int = 0) -> dict:
    key = jax.random.key(seed)
    ks = jax.random.split(key, 12)
    inp = {}
    inp["user"] = jax.random.randint(ks[0], (B,), 0, USER_COUNT, dtype=jnp.int32)
    inp["item"] = jax.random.randint(ks[1], (B,), 0, ITEM_COUNT, dtype=jnp.int32)
    inp["history"] = jax.random.randint(ks[2], (B, L), 0, ITEM_COUNT, dtype=jnp.int32)
    inp["length"] = jnp.ones((B,), dtype=jnp.int32)
    inp["user_table"] = jax.random.normal(ks[3], (USER_COUNT, UD), jnp.float32) * 0.05
    inp["item_table"] = jax.random.normal(ks[4], (ITEM_COUNT, ID), jnp.float32) * 0.05
    inp["cate_table"] = jax.random.normal(ks[5], (CATE_COUNT, CD), jnp.float32) * 0.05
    inp["item_bias"] = jnp.zeros((ITEM_COUNT,), jnp.float32)
    inp["cate_list"] = (jnp.arange(ITEM_COUNT, dtype=jnp.int32) % CATE_COUNT)
    inp["hist_W"] = jax.random.normal(ks[6], (ID + CD, ID + CD), jnp.float32) * 0.05
    inp["hist_b"] = jnp.zeros((ID + CD,), jnp.float32)
    inp["fc1_W"] = jax.random.normal(ks[7], (UD + 2 * (ID + CD), 80), jnp.float32) * 0.05
    inp["fc1_b"] = jnp.zeros((80,), jnp.float32)
    inp["fc2_W"] = jax.random.normal(ks[8], (80, 40), jnp.float32) * 0.05
    inp["fc2_b"] = jnp.zeros((40,), jnp.float32)
    inp["fc3_W"] = jax.random.normal(ks[9], (40, 1), jnp.float32) * 0.05
    inp["fc3_b"] = jnp.zeros((1,), jnp.float32)
    return inp


def reference(user, item, history, length, user_table, item_table, cate_table,
              item_bias, cate_list, hist_W, hist_b, fc1_W, fc1_b, fc2_W, fc2_b,
              fc3_W, fc3_b):
    bn_scale = 1.0 / jnp.sqrt(1.0 + BN_EPS)  # inference-mode BatchNorm (mean 0, var 1, gamma 1, beta 0)
    # get_emb
    user_emb = jnp.take(user_table, user, axis=0)
    item_emb = jnp.take(item_table, item, axis=0)
    item_cate_emb = jnp.take(cate_table, jnp.take(cate_list, item), axis=0)
    item_join_emb = jnp.concatenate([item_emb, item_cate_emb], axis=-1)
    item_b = jnp.take(item_bias, item)
    hist_emb = jnp.take(item_table, history, axis=0)
    hist_cate_emb = jnp.take(cate_table, jnp.take(cate_list, history), axis=0)
    hist_join_emb = jnp.concatenate([hist_emb, hist_cate_emb], axis=-1)
    # call: sequence mask with maxlen = max(length) (matches python max() over the tensor)
    maxlen = 1
    mask = (jnp.arange(maxlen)[None, :] < length[:, None]).astype(jnp.float32)
    mask = jnp.tile(mask[:, :, None], (1, 1, ID + CD))
    hist_masked = hist_join_emb * mask  # broadcasts over time dim when maxlen < L
    hist_sum = jnp.sum(hist_masked, axis=1)
    len_tiled = jnp.tile(length[:, None], (1, ID + CD)).astype(jnp.float32)
    hist_avg = hist_sum / len_tiled
    hist_hid = (hist_avg * bn_scale) @ hist_W + hist_b
    join_emb = jnp.concatenate([user_emb, item_join_emb, hist_hid], axis=-1)
    h = join_emb * bn_scale
    h = jax.nn.sigmoid(h @ fc1_W + fc1_b)
    h = jax.nn.sigmoid(h @ fc2_W + fc2_b)
    output = jnp.squeeze(h @ fc3_W + fc3_b, axis=-1) + item_b
    logit = jax.nn.sigmoid(output)
    return (output, logit)

if __name__ == "__main__":
    import jax
    _d = setup_inputs()
    print(jax.jit(kernel)(*tuple(_d.values())))

</pallas_src>

<mosaic_0001>
#map = affine_map<(d0, d1) -> (0)>
#map1 = affine_map<(d0, d1) -> (0, 0)>
module attributes {stable_mosaic.version = 14 : i64} {
  func.func @_sc_gather_body(%arg0: i32, %arg1: i32, %arg2: memref<4096xi32, #tpu.memory_space<hbm>>, %arg3: memref<50000x128xf32, #tpu.memory_space<hbm>>, %arg4: memref<4096x128xf32, #tpu.memory_space<hbm>>, %arg5: memref<128xi32, #tpu.memory_space<vmem>>, %arg6: memref<128xi32, #tpu.memory_space<vmem>>, %arg7: memref<128x128xf32, #tpu.memory_space<vmem>>, %arg8: memref<!tpu.dma_semaphore, #tpu.memory_space<semaphore_mem>>) attributes {dimension_semantics = [#tpu.dimension_semantics<core_parallel>, #tpu.dimension_semantics<subcore_parallel>], iteration_bounds = array<i64: 2, 16>, scalar_prefetch = 0 : i64, scratch_operands = 4 : i64, tpu.core_type = #tpu.core_type<sc_vector_subcore>, window_params = [{transform_indices = #map}, {transform_indices = #map1}, {transform_indices = #map1}]} {
    %mul3A = arith.constant 2 : i32
    %mul3A_0 = arith.muli %arg1, %mul3A : i32
    %add3A = arith.addi %mul3A_0, %arg0 : i32
    %mul3A_1 = arith.constant 128 : i32
    %mul3A_2 = arith.muli %add3A, %mul3A_1 : i32
    "tpu.region"() ({
      %run_scoped3A = tpu.sem_alloc : memref<!tpu.dma_semaphore, #tpu.memory_space<semaphore_mem>>
      %dma_start3A_60 = tpu.memref_slice %arg2[%mul3A_2] : memref<4096xi32, #tpu.memory_space<hbm>> -> memref<128xi32, #tpu.memory_space<hbm>>
      %dma_start3A_61 = tpu.memref_slice %arg2[%mul3A_2] : memref<4096xi32, #tpu.memory_space<hbm>> -> memref<128xi32, #tpu.memory_space<hbm>>
      tpu.enqueue_dma source(%dma_start3A_61 : memref<128xi32, #tpu.memory_space<hbm>>) target(%arg5 : memref<128xi32, #tpu.memory_space<vmem>>) target_semaphore(%run_scoped3A : memref<!tpu.dma_semaphore, #tpu.memory_space<semaphore_mem>>)
      %dma_wait3A_62 = tpu.memref_slice %arg2[%mul3A_2] : memref<4096xi32, #tpu.memory_space<hbm>> -> memref<128xi32, #tpu.memory_space<hbm>>
      %dma_wait3A_63 = tpu.memref_slice %arg2[%mul3A_2] : memref<4096xi32, #tpu.memory_space<hbm>> -> memref<128xi32, #tpu.memory_space<hbm>>
      tpu.wait_dma2 semaphore(%run_scoped3A : memref<!tpu.dma_semaphore, #tpu.memory_space<semaphore_mem>>) src(%dma_wait3A_63 : memref<128xi32, #tpu.memory_space<hbm>>) dst(%arg5 : memref<128xi32, #tpu.memory_space<vmem>>)
      tpu.yield
    }) : () -> ()
    %get3A = arith.constant 0 : index
    %get3A_3 = tpu.vector_load %arg5[%get3A] {strides = array<i32>} : memref<128xi32, #tpu.memory_space<vmem>>, vector<16xi32>,
    %shift_right_logical3A = arith.constant 1 : i32
    %shift_right_logical3A_4 = vector.broadcast %shift_right_logical3A : i32 to vector<16xi32>
    %shift_right_logical3A_5 = arith.shrui %get3A_3, %shift_right_logical3A_4 : vector<16xi32>
    %swap3A = arith.constant 0 : index
    %swap3A_6 = tpu.vector_load %arg6[%swap3A] {strides = array<i32>} : memref<128xi32, #tpu.memory_space<vmem>>, vector<16xi32>,
    tpu.vector_store %arg6[%swap3A], %shift_right_logical3A_5 {strides = array<i32>} : memref<128xi32, #tpu.memory_space<vmem>>, vector<16xi32>,
    %get3A_7 = arith.constant 16 : index
    %get3A_8 = tpu.vector_load %arg5[%get3A_7] {strides = array<i32>} : memref<128xi32, #tpu.memory_space<vmem>>, vector<16xi32>,
    %shift_right_logical3A_9 = arith.constant 1 : i32
    %shift_right_logical3A_10 = vector.broadcast %shift_right_logical3A_9 : i32 to vector<16xi32>
    %shift_right_logical3A_11 = arith.shrui %get3A_8, %shift_right_logical3A_10 : vector<16xi32>
    %swap3A_12 = arith.constant 16 : index
    %swap3A_13 = tpu.vector_load %arg6[%swap3A_12] {strides = array<i32>} : memref<128xi32, #tpu.memory_space<vmem>>, vector<16xi32>,
    tpu.vector_store %arg6[%swap3A_12], %shift_right_logical3A_11 {strides = array<i32>} : memref<128xi32, #tpu.memory_space<vmem>>, vector<16xi32>,
    %get3A_14 = arith.constant 32 : index
    %get3A_15 = tpu.vector_load %arg5[%get3A_14] {strides = array<i32>} : memref<128xi32, #tpu.memory_space<vmem>>, vector<16xi32>,
    %shift_right_logical3A_16 = arith.constant 1 : i32
    %shift_right_logical3A_17 = vector.broadcast %shift_right_logical3A_16 : i32 to vector<16xi32>
    %shift_right_logical3A_18 = arith.shrui %get3A_15, %shift_right_logical3A_17 : vector<16xi32>
    %swap3A_19 = arith.constant 32 : index
    %swap3A_20 = tpu.vector_load %arg6[%swap3A_19] {strides = array<i32>} : memref<128xi32, #tpu.memory_space<vmem>>, vector<16xi32>,
    tpu.vector_store %arg6[%swap3A_19], %shift_right_logical3A_18 {strides = array<i32>} : memref<128xi32, #tpu.memory_space<vmem>>, vector<16xi32>,
    %get3A_21 = arith.constant 48 : index
    %get3A_22 = tpu.vector_load %arg5[%get3A_21] {strides = array<i32>} : memref<128xi32, #tpu.memory_space<vmem>>, vector<16xi32>,
    %shift_right_logical3A_23 = arith.constant 1 : i32
    %shift_right_logical3A_24 = vector.broadcast %shift_right_logical3A_23 : i32 to vector<16xi32>
    %shift_right_logical3A_25 = arith.shrui %get3A_22, %shift_right_logical3A_24 : vector<16xi32>
    %swap3A_26 = arith.constant 48 : index
    %swap3A_27 = tpu.vector_load %arg6[%swap3A_26] {strides = array<i32>} : memref<128xi32, #tpu.memory_space<vmem>>, vector<16xi32>,
    tpu.vector_store %arg6[%swap3A_26], %shift_right_logical3A_25 {strides = array<i32>} : memref<128xi32, #tpu.memory_space<vmem>>, vector<16xi32>,
    %get3A_28 = arith.constant 64 : index
    %get3A_29 = tpu.vector_load %arg5[%get3A_28] {strides = array<i32>} : memref<128xi32, #tpu.memory_space<vmem>>, vector<16xi32>,
    %shift_right_logical3A_30 = arith.constant 1 : i32
    %shift_right_logical3A_31 = vector.broadcast %shift_right_logical3A_30 : i32 to vector<16xi32>
    %shift_right_logical3A_32 = arith.shrui %get3A_29, %shift_right_logical3A_31 : vector<16xi32>
    %swap3A_33 = arith.constant 64 : index
    %swap3A_34 = tpu.vector_load %arg6[%swap3A_33] {strides = array<i32>} : memref<128xi32, #tpu.memory_space<vmem>>, vector<16xi32>,
    tpu.vector_store %arg6[%swap3A_33], %shift_right_logical3A_32 {strides = array<i32>} : memref<128xi32, #tpu.memory_space<vmem>>, vector<16xi32>,
    %get3A_35 = arith.constant 80 : index
    %get3A_36 = tpu.vector_load %arg5[%get3A_35] {strides = array<i32>} : memref<128xi32, #tpu.memory_space<vmem>>, vector<16xi32>,
    %shift_right_logical3A_37 = arith.constant 1 : i32
    %shift_right_logical3A_38 = vector.broadcast %shift_right_logical3A_37 : i32 to vector<16xi32>
    %shift_right_logical3A_39 = arith.shrui %get3A_36, %shift_right_logical3A_38 : vector<16xi32>
    %swap3A_40 = arith.constant 80 : index
    %swap3A_41 = tpu.vector_load %arg6[%swap3A_40] {strides = array<i32>} : memref<128xi32, #tpu.memory_space<vmem>>, vector<16xi32>,
    tpu.vector_store %arg6[%swap3A_40], %shift_right_logical3A_39 {strides = array<i32>} : memref<128xi32, #tpu.memory_space<vmem>>, vector<16xi32>,
    %get3A_42 = arith.constant 96 : index
    %get3A_43 = tpu.vector_load %arg5[%get3A_42] {strides = array<i32>} : memref<128xi32, #tpu.memory_space<vmem>>, vector<16xi32>,
    %shift_right_logical3A_44 = arith.constant 1 : i32
    %shift_right_logical3A_45 = vector.broadcast %shift_right_logical3A_44 : i32 to vector<16xi32>
    %shift_right_logical3A_46 = arith.shrui %get3A_43, %shift_right_logical3A_45 : vector<16xi32>
    %swap3A_47 = arith.constant 96 : index
    %swap3A_48 = tpu.vector_load %arg6[%swap3A_47] {strides = array<i32>} : memref<128xi32, #tpu.memory_space<vmem>>, vector<16xi32>,
    tpu.vector_store %arg6[%swap3A_47], %shift_right_logical3A_46 {strides = array<i32>} : memref<128xi32, #tpu.memory_space<vmem>>, vector<16xi32>,
    %get3A_49 = arith.constant 112 : index
    %get3A_50 = tpu.vector_load %arg5[%get3A_49] {strides = array<i32>} : memref<128xi32, #tpu.memory_space<vmem>>, vector<16xi32>,
    %shift_right_logical3A_51 = arith.constant 1 : i32
    %shift_right_logical3A_52 = vector.broadcast %shift_right_logical3A_51 : i32 to vector<16xi32>
    %shift_right_logical3A_53 = arith.shrui %get3A_50, %shift_right_logical3A_52 : vector<16xi32>
    %swap3A_54 = arith.constant 112 : index
    %swap3A_55 = tpu.vector_load %arg6[%swap3A_54] {strides = array<i32>} : memref<128xi32, #tpu.memory_space<vmem>>, vector<16xi32>,
    tpu.vector_store %arg6[%swap3A_54], %shift_right_logical3A_53 {strides = array<i32>} : memref<128xi32, #tpu.memory_space<vmem>>, vector<16xi32>,
    %dma_start3A = arith.constant 0 : i32
    %dma_start3A_56 = arith.constant 0 : i32
    %dma_start3A_57 = tpu.memref_slice %arg3[%dma_start3A, %dma_start3A_56] : memref<50000x128xf32, #tpu.memory_space<hbm>> -> memref<50000x128xf32, #tpu.memory_space<hbm>>
    tpu.enqueue_indirect_dma source(%dma_start3A_57 : memref<50000x128xf32, #tpu.memory_space<hbm>>) target(%arg7 : memref<128x128xf32, #tpu.memory_space<vmem>>) offsets(%arg6 : memref<128xi32, #tpu.memory_space<vmem>>) semaphore(%arg8 : memref<!tpu.dma_semaphore, #tpu.memory_space<semaphore_mem>>)
    %dma_wait3A = arith.constant 0 : i32
    %dma_wait3A_58 = arith.constant 0 : i32
    %dma_wait3A_59 = tpu.memref_slice %arg3[%dma_wait3A, %dma_wait3A_58] : memref<50000x128xf32, #tpu.memory_space<hbm>> -> memref<50000x128xf32, #tpu.memory_space<hbm>>
    tpu.wait_indirect_dma semaphore(%arg8 : memref<!tpu.dma_semaphore, #tpu.memory_space<semaphore_mem>>) src(%dma_wait3A_59 : memref<50000x128xf32, #tpu.memory_space<hbm>>) dst(%arg7 : memref<128x128xf32, #tpu.memory_space<vmem>>)
    "tpu.region"() ({
      %run_scoped3A = tpu.sem_alloc : memref<!tpu.dma_semaphore, #tpu.memory_space<semaphore_mem>>
      %dma_start3A_60 = arith.constant 0 : i32
      %dma_start3A_61 = tpu.memref_slice %arg4[%mul3A_2, %dma_start3A_60] : memref<4096x128xf32, #tpu.memory_space<hbm>> -> memref<128x128xf32, #tpu.memory_space<hbm>>
      %dma_start3A_62 = arith.constant 0 : i32
      %dma_start3A_63 = tpu.memref_slice %arg4[%mul3A_2, %dma_start3A_62] : memref<4096x128xf32, #tpu.memory_space<hbm>> -> memref<128x128xf32, #tpu.memory_space<hbm>>
      tpu.enqueue_dma source(%arg7 : memref<128x128xf32, #tpu.memory_space<vmem>>) target(%dma_start3A_63 : memref<128x128xf32, #tpu.memory_space<hbm>>) target_semaphore(%run_scoped3A : memref<!tpu.dma_semaphore, #tpu.memory_space<semaphore_mem>>)
      %dma_wait3A_64 = arith.constant 0 : i32
      %dma_wait3A_65 = tpu.memref_slice %arg4[%mul3A_2, %dma_wait3A_64] : memref<4096x128xf32, #tpu.memory_space<hbm>> -> memref<128x128xf32, #tpu.memory_space<hbm>>
      %dma_wait3A_66 = arith.constant 0 : i32
      %dma_wait3A_67 = tpu.memref_slice %arg4[%mul3A_2, %dma_wait3A_66] : memref<4096x128xf32, #tpu.memory_space<hbm>> -> memref<128x128xf32, #tpu.memory_space<hbm>>
      tpu.wait_dma2 semaphore(%run_scoped3A : memref<!tpu.dma_semaphore, #tpu.memory_space<semaphore_mem>>) src(%arg7 : memref<128x128xf32, #tpu.memory_space<vmem>>) dst(%dma_wait3A_67 : memref<128x128xf32, #tpu.memory_space<hbm>>)
      tpu.yield
    }) : () -> ()
    return
  }
}

#map = affine_map<(d0, d1) -> (0)>
#map1 = affine_map<(d0, d1) -> (0, 0)>
module attributes {stable_mosaic.version = 14 : i64} {
  func.func @_sc_hist_body(%arg0: i32, %arg1: i32, %arg2: memref<204800xi32, #tpu.memory_space<hbm>>, %arg3: memref<4096xi32, #tpu.memory_space<hbm>>, %arg4: memref<1024x256xf32, #tpu.memory_space<hbm>>, %arg5: memref<4194304xf32, #tpu.memory_space<hbm>>, %arg6: memref<4096x256xf32, #tpu.memory_space<hbm>>, %arg7: memref<6400xi32, #tpu.memory_space<vmem>>, %arg8: memref<65536xf32, #tpu.memory_space<vmem>>, %arg9: memref<128xi32, #tpu.memory_space<vmem>>, %arg10: memref<128x256xf32, #tpu.memory_space<vmem>>, %arg11: memref<!tpu.dma_semaphore, #tpu.memory_space<semaphore_mem>>, %arg12: memref<!tpu.dma_semaphore, #tpu.memory_space<semaphore_mem>>) attributes {dimension_semantics = [#tpu.dimension_semantics<core_parallel>, #tpu.dimension_semantics<subcore_parallel>], iteration_bounds = array<i64: 2, 16>, scalar_prefetch = 0 : i64, scratch_operands = 6 : i64, tpu.core_type = #tpu.core_type<sc_vector_subcore>, window_params = [{transform_indices = #map}, {transform_indices = #map}, {transform_indices = #map1}, {transform_indices = #map}, {transform_indices = #map1}]} {
    %mul3A = arith.constant 2 : i32
    %mul3A_0 = arith.muli %arg1, %mul3A : i32
    %add3A = arith.addi %mul3A_0, %arg0 : i32
    %mul3A_1 = arith.constant 128 : i32
    %mul3A_2 = arith.muli %add3A, %mul3A_1 : i32
    "tpu.region"() ({
      %run_scoped3A = tpu.sem_alloc : memref<!tpu.dma_semaphore, #tpu.memory_space<semaphore_mem>>
      %dma_start3A_61 = tpu.memref_slice %arg3[%mul3A_2] : memref<4096xi32, #tpu.memory_space<hbm>> -> memref<128xi32, #tpu.memory_space<hbm>>
      %dma_start3A_62 = tpu.memref_slice %arg3[%mul3A_2] : memref<4096xi32, #tpu.memory_space<hbm>> -> memref<128xi32, #tpu.memory_space<hbm>>
      tpu.enqueue_dma source(%dma_start3A_62 : memref<128xi32, #tpu.memory_space<hbm>>) target(%arg9 : memref<128xi32, #tpu.memory_space<vmem>>) target_semaphore(%run_scoped3A : memref<!tpu.dma_semaphore, #tpu.memory_space<semaphore_mem>>)
      %dma_wait3A_63 = tpu.memref_slice %arg3[%mul3A_2] : memref<4096xi32, #tpu.memory_space<hbm>> -> memref<128xi32, #tpu.memory_space<hbm>>
      %dma_wait3A_64 = tpu.memref_slice %arg3[%mul3A_2] : memref<4096xi32, #tpu.memory_space<hbm>> -> memref<128xi32, #tpu.memory_space<hbm>>
      tpu.wait_dma2 semaphore(%run_scoped3A : memref<!tpu.dma_semaphore, #tpu.memory_space<semaphore_mem>>) src(%dma_wait3A_64 : memref<128xi32, #tpu.memory_space<hbm>>) dst(%arg9 : memref<128xi32, #tpu.memory_space<vmem>>)
      tpu.yield
    }) : () -> ()
    %dma_start3A = arith.constant 0 : i32
    %dma_start3A_3 = arith.constant 0 : i32
    %dma_start3A_4 = tpu.memref_slice %arg4[%dma_start3A, %dma_start3A_3] : memref<1024x256xf32, #tpu.memory_space<hbm>> -> memref<1024x256xf32, #tpu.memory_space<hbm>>
    tpu.enqueue_indirect_dma source(%dma_start3A_4 : memref<1024x256xf32, #tpu.memory_space<hbm>>) target(%arg10 : memref<128x256xf32, #tpu.memory_space<vmem>>) offsets(%arg9 : memref<128xi32, #tpu.memory_space<vmem>>) semaphore(%arg12 : memref<!tpu.dma_semaphore, #tpu.memory_space<semaphore_mem>>)
    %mul3A_5 = arith.constant 50 : i32
    %mul3A_6 = arith.muli %mul3A_2, %mul3A_5 : i32
    "tpu.region"() ({
      %run_scoped3A = tpu.sem_alloc : memref<!tpu.dma_semaphore, #tpu.memory_space<semaphore_mem>>
      %dma_start3A_61 = tpu.memref_slice %arg2[%mul3A_6] : memref<204800xi32, #tpu.memory_space<hbm>> -> memref<6400xi32, #tpu.memory_space<hbm>>
      %dma_start3A_62 = tpu.memref_slice %arg2[%mul3A_6] : memref<204800xi32, #tpu.memory_space<hbm>> -> memref<6400xi32, #tpu.memory_space<hbm>>
      tpu.enqueue_dma source(%dma_start3A_62 : memref<6400xi32, #tpu.memory_space<hbm>>) target(%arg7 : memref<6400xi32, #tpu.memory_space<vmem>>) target_semaphore(%run_scoped3A : memref<!tpu.dma_semaphore, #tpu.memory_space<semaphore_mem>>)
      %dma_wait3A_63 = tpu.memref_slice %arg2[%mul3A_6] : memref<204800xi32, #tpu.memory_space<hbm>> -> memref<6400xi32, #tpu.memory_space<hbm>>
      %dma_wait3A_64 = tpu.memref_slice %arg2[%mul3A_6] : memref<204800xi32, #tpu.memory_space<hbm>> -> memref<6400xi32, #tpu.memory_space<hbm>>
      tpu.wait_dma2 semaphore(%run_scoped3A : memref<!tpu.dma_semaphore, #tpu.memory_space<semaphore_mem>>) src(%dma_wait3A_64 : memref<6400xi32, #tpu.memory_space<hbm>>) dst(%arg7 : memref<6400xi32, #tpu.memory_space<vmem>>)
      tpu.yield
    }) : () -> ()
    %broadcast_in_dim3A = arith.constant 0.000000e+00 : f32
    %broadcast_in_dim3A_7 = vector.broadcast %broadcast_in_dim3A : f32 to vector<16xf32>
    %broadcast_in_dim3A_8 = arith.constant 1.000000e+00 : f32
    %broadcast_in_dim3A_9 = vector.broadcast %broadcast_in_dim3A_8 : f32 to vector<16xf32>
    %iota3A = tpu.iota {dimensions = array<i32: 0>} : vector<16xi32>
    %mul3A_10 = arith.constant 50 : i32
    %mul3A_11 = vector.broadcast %mul3A_10 : i32 to vector<16xi32>
    %mul3A_12 = arith.muli %iota3A, %mul3A_11 : vector<16xi32>
    %mul3A_13 = arith.constant 1024 : i32
    %mul3A_14 = vector.broadcast %mul3A_13 : i32 to vector<16xi32>
    %mul3A_15 = arith.muli %iota3A, %mul3A_14 : vector<16xi32>
    %scan3A = arith.constant 0 : i32
    %scan3A_16 = arith.constant 0 : i32
    %scan3A_17 = arith.constant 64 : i32
    %scan3A_18 = arith.addi %scan3A_16, %scan3A_17 : i32
    %scan3A_19 = arith.constant 1 : i32
    %scan3A_20 = scf.for %scan3A_61 = %scan3A_16 to %scan3A_18 step %scan3A_19 iter_args(%scan3A_62 = %scan3A) -> (i32)  : i32 {
      %mul3A_63 = arith.constant 1024 : i32
      %mul3A_64 = arith.muli %scan3A_61, %mul3A_63 : i32
      %add3A_65 = arith.constant 0 : i32
      %add3A_66 = arith.addi %mul3A_64, %add3A_65 : i32
      %swap3A = arith.index_cast %add3A_66 : i32 to index
      %swap3A_67 = tpu.vector_load %arg8[%swap3A] {strides = array<i32>} : memref<65536xf32, #tpu.memory_space<vmem>>, vector<16xf32>,
      tpu.vector_store %arg8[%swap3A], %broadcast_in_dim3A_7 {strides = array<i32>} : memref<65536xf32, #tpu.memory_space<vmem>>, vector<16xf32>,
      %mul3A_68 = arith.constant 1024 : i32
      %mul3A_69 = arith.muli %scan3A_61, %mul3A_68 : i32
      %add3A_70 = arith.constant 16 : i32
      %add3A_71 = arith.addi %mul3A_69, %add3A_70 : i32
      %swap3A_72 = arith.index_cast %add3A_71 : i32 to index
      %swap3A_73 = tpu.vector_load %arg8[%swap3A_72] {strides = array<i32>} : memref<65536xf32, #tpu.memory_space<vmem>>, vector<16xf32>,
      tpu.vector_store %arg8[%swap3A_72], %broadcast_in_dim3A_7 {strides = array<i32>} : memref<65536xf32, #tpu.memory_space<vmem>>, vector<16xf32>,
      %mul3A_74 = arith.constant 1024 : i32
      %mul3A_75 = arith.muli %scan3A_61, %mul3A_74 : i32
      %add3A_76 = arith.constant 32 : i32
      %add3A_77 = arith.addi %mul3A_75, %add3A_76 : i32
      %swap3A_78 = arith.index_cast %add3A_77 : i32 to index
      %swap3A_79 = tpu.vector_load %arg8[%swap3A_78] {strides = array<i32>} : memref<65536xf32, #tpu.memory_space<vmem>>, vector<16xf32>,
      tpu.vector_store %arg8[%swap3A_78], %broadcast_in_dim3A_7 {strides = array<i32>} : memref<65536xf32, #tpu.memory_space<vmem>>, vector<16xf32>,
      %mul3A_80 = arith.constant 1024 : i32
      %mul3A_81 = arith.muli %scan3A_61, %mul3A_80 : i32
      %add3A_82 = arith.constant 48 : i32
      %add3A_83 = arith.addi %mul3A_81, %add3A_82 : i32
      %swap3A_84 = arith.index_cast %add3A_83 : i32 to index
      %swap3A_85 = tpu.vector_load %arg8[%swap3A_84] {strides = array<i32>} : memref<65536xf32, #tpu.memory_space<vmem>>, vector<16xf32>,
      tpu.vector_store %arg8[%swap3A_84], %broadcast_in_dim3A_7 {strides = array<i32>} : memref<65536xf32, #tpu.memory_space<vmem>>, vector<16xf32>,
      %mul3A_86 = arith.constant 1024 : i32
      %mul3A_87 = arith.muli %scan3A_61, %mul3A_86 : i32
      %add3A_88 = arith.constant 64 : i32
      %add3A_89 = arith.addi %mul3A_87, %add3A_88 : i32
      %swap3A_90 = arith.index_cast %add3A_89 : i32 to index
      %swap3A_91 = tpu.vector_load %arg8[%swap3A_90] {strides = array<i32>} : memref<65536xf32, #tpu.memory_space<vmem>>, vector<16xf32>,
      tpu.vector_store %arg8[%swap3A_90], %broadcast_in_dim3A_7 {strides = array<i32>} : memref<65536xf32, #tpu.memory_space<vmem>>, vector<16xf32>,
      %mul3A_92 = arith.constant 1024 : i32
      %mul3A_93 = arith.muli %scan3A_61, %mul3A_92 : i32
      %add3A_94 = arith.constant 80 : i32
      %add3A_95 = arith.addi %mul3A_93, %add3A_94 : i32
      %swap3A_96 = arith.index_cast %add3A_95 : i32 to index
      %swap3A_97 = tpu.vector_load %arg8[%swap3A_96] {strides = array<i32>} : memref<65536xf32, #tpu.memory_space<vmem>>, vector<16xf32>,
      tpu.vector_store %arg8[%swap3A_96], %broadcast_in_dim3A_7 {strides = array<i32>} : memref<65536xf32, #tpu.memory_space<vmem>>, vector<16xf32>,
      %mul3A_98 = arith.constant 1024 : i32
      %mul3A_99 = arith.muli %scan3A_61, %mul3A_98 : i32
      %add3A_100 = arith.constant 96 : i32
      %add3A_101 = arith.addi %mul3A_99, %add3A_100 : i32
      %swap3A_102 = arith.index_cast %add3A_101 : i32 to index
      %swap3A_103 = tpu.vector_load %arg8[%swap3A_102] {strides = array<i32>} : memref<65536xf32, #tpu.memory_space<vmem>>, vector<16xf32>,
      tpu.vector_store %arg8[%swap3A_102], %broadcast_in_dim3A_7 {strides = array<i32>} : memref<65536xf32, #tpu.memory_space<vmem>>, vector<16xf32>,
      %mul3A_104 = arith.constant 1024 : i32
      %mul3A_105 = arith.muli %scan3A_61, %mul3A_104 : i32
      %add3A_106 = arith.constant 112 : i32
      %add3A_107 = arith.addi %mul3A_105, %add3A_106 : i32
      %swap3A_108 = arith.index_cast %add3A_107 : i32 to index
      %swap3A_109 = tpu.vector_load %arg8[%swap3A_108] {strides = array<i32>} : memref<65536xf32, #tpu.memory_space<vmem>>, vector<16xf32>,
      tpu.vector_store %arg8[%swap3A_108], %broadcast_in_dim3A_7 {strides = array<i32>} : memref<65536xf32, #tpu.memory_space<vmem>>, vector<16xf32>,
      %mul3A_110 = arith.constant 1024 : i32
      %mul3A_111 = arith.muli %scan3A_61, %mul3A_110 : i32
      %add3A_112 = arith.constant 128 : i32
      %add3A_113 = arith.addi %mul3A_111, %add3A_112 : i32
      %swap3A_114 = arith.index_cast %add3A_113 : i32 to index
      %swap3A_115 = tpu.vector_load %arg8[%swap3A_114] {strides = array<i32>} : memref<65536xf32, #tpu.memory_space<vmem>>, vector<16xf32>,
      tpu.vector_store %arg8[%swap3A_114], %broadcast_in_dim3A_7 {strides = array<i32>} : memref<65536xf32, #tpu.memory_space<vmem>>, vector<16xf32>,
      %mul3A_116 = arith.constant 1024 : i32
      %mul3A_117 = arith.muli %scan3A_61, %mul3A_116 : i32
      %add3A_118 = arith.constant 144 : i32
      %add3A_119 = arith.addi %mul3A_117, %add3A_118 : i32
      %swap3A_120 = arith.index_cast %add3A_119 : i32 to index
      %swap3A_121 = tpu.vector_load %arg8[%swap3A_120] {strides = array<i32>} : memref<65536xf32, #tpu.memory_space<vmem>>, vector<16xf32>,
      tpu.vector_store %arg8[%swap3A_120], %broadcast_in_dim3A_7 {strides = array<i32>} : memref<65536xf32, #tpu.memory_space<vmem>>, vector<16xf32>,
      %mul3A_122 = arith.constant 1024 : i32
      %mul3A_123 = arith.muli %scan3A_61, %mul3A_122 : i32
      %add3A_124 = arith.constant 160 : i32
      %add3A_125 = arith.addi %mul3A_123, %add3A_124 : i32
      %swap3A_126 = arith.index_cast %add3A_125 : i32 to index
      %swap3A_127 = tpu.vector_load %arg8[%swap3A_126] {strides = array<i32>} : memref<65536xf32, #tpu.memory_space<vmem>>, vector<16xf32>,
      tpu.vector_store %arg8[%swap3A_126], %broadcast_in_dim3A_7 {strides = array<i32>} : memref<65536xf32, #tpu.memory_space<vmem>>, vector<16xf32>,
      %mul3A_128 = arith.constant 1024 : i32
      %mul3A_129 = arith.muli %scan3A_61, %mul3A_128 : i32
      %add3A_130 = arith.constant 176 : i32
      %add3A_131 = arith.addi %mul3A_129, %add3A_130 : i32
      %swap3A_132 = arith.index_cast %add3A_131 : i32 to index
      %swap3A_133 = tpu.vector_load %arg8[%swap3A_132] {strides = array<i32>} : memref<65536xf32, #tpu.memory_space<vmem>>, vector<16xf32>,
      tpu.vector_store %arg8[%swap3A_132], %broadcast_in_dim3A_7 {strides = array<i32>} : memref<65536xf32, #tpu.memory_space<vmem>>, vector<16xf32>,
      %mul3A_134 = arith.constant 1024 : i32
      %mul3A_135 = arith.muli %scan3A_61, %mul3A_134 : i32
      %add3A_136 = arith.constant 192 : i32
      %add3A_137 = arith.addi %mul3A_135, %add3A_136 : i32
      %swap3A_138 = arith.index_cast %add3A_137 : i32 to index
      %swap3A_139 = tpu.vector_load %arg8[%swap3A_138] {strides = array<i32>} : memref<65536xf32, #tpu.memory_space<vmem>>, vector<16xf32>,
      tpu.vector_store %arg8[%swap3A_138], %broadcast_in_dim3A_7 {strides = array<i32>} : memref<65536xf32, #tpu.memory_space<vmem>>, vector<16xf32>,
      %mul3A_140 = arith.constant 1024 : i32
      %mul3A_141 = arith.muli %scan3A_61, %mul3A_140 : i32
      %add3A_142 = arith.constant 208 : i32
      %add3A_143 = arith.addi %mul3A_141, %add3A_142 : i32
      %swap3A_144 = arith.index_cast %add3A_143 : i32 to index
      %swap3A_145 = tpu.vector_load %arg8[%swap3A_144] {strides = array<i32>} : memref<65536xf32, #tpu.memory_space<vmem>>, vector<16xf32>,
      tpu.vector_store %arg8[%swap3A_144], %broadcast_in_dim3A_7 {strides = array<i32>} : memref<65536xf32, #tpu.memory_space<vmem>>, vector<16xf32>,
      %mul3A_146 = arith.constant 1024 : i32
      %mul3A_147 = arith.muli %scan3A_61, %mul3A_146 : i32
      %add3A_148 = arith.constant 224 : i32
      %add3A_149 = arith.addi %mul3A_147, %add3A_148 : i32
      %swap3A_150 = arith.index_cast %add3A_149 : i32 to index
      %swap3A_151 = tpu.vector_load %arg8[%swap3A_150] {strides = array<i32>} : memref<65536xf32, #tpu.memory_space<vmem>>, vector<16xf32>,
      tpu.vector_store %arg8[%swap3A_150], %broadcast_in_dim3A_7 {strides = array<i32>} : memref<65536xf32, #tpu.memory_space<vmem>>, vector<16xf32>,
      %mul3A_152 = arith.constant 1024 : i32
      %mul3A_153 = arith.muli %scan3A_61, %mul3A_152 : i32
      %add3A_154 = arith.constant 240 : i32
      %add3A_155 = arith.addi %mul3A_153, %add3A_154 : i32
      %swap3A_156 = arith.index_cast %add3A_155 : i32 to index
      %swap3A_157 = tpu.vector_load %arg8[%swap3A_156] {strides = array<i32>} : memref<65536xf32, #tpu.memory_space<vmem>>, vector<16xf32>,
      tpu.vector_store %arg8[%swap3A_156], %broadcast_in_dim3A_7 {strides = array<i32>} : memref<65536xf32, #tpu.memory_space<vmem>>, vector<16xf32>,
      %mul3A_158 = arith.constant 1024 : i32
      %mul3A_159 = arith.muli %scan3A_61, %mul3A_158 : i32
      %add3A_160 = arith.constant 256 : i32
      %add3A_161 = arith.addi %mul3A_159, %add3A_160 : i32
      %swap3A_162 = arith.index_cast %add3A_161 : i32 to index
      %swap3A_163 = tpu.vector_load %arg8[%swap3A_162] {strides = array<i32>} : memref<65536xf32, #tpu.memory_space<vmem>>, vector<16xf32>,
      tpu.vector_store %arg8[%swap3A_162], %broadcast_in_dim3A_7 {strides = array<i32>} : memref<65536xf32, #tpu.memory_space<vmem>>, vector<16xf32>,
      %mul3A_164 = arith.constant 1024 : i32
      %mul3A_165 = arith.muli %scan3A_61, %mul3A_164 : i32
      %add3A_166 = arith.constant 272 : i32
      %add3A_167 = arith.addi %mul3A_165, %add3A_166 : i32
      %swap3A_168 = arith.index_cast %add3A_167 : i32 to index
      %swap3A_169 = tpu.vector_load %arg8[%swap3A_168] {strides = array<i32>} : memref<65536xf32, #tpu.memory_space<vmem>>, vector<16xf32>,
      tpu.vector_store %arg8[%swap3A_168], %broadcast_in_dim3A_7 {strides = array<i32>} : memref<65536xf32, #tpu.memory_space<vmem>>, vector<16xf32>,
      %mul3A_170 = arith.constant 1024 : i32
      %mul3A_171 = arith.muli %scan3A_61, %mul3A_170 : i32
      %add3A_172 = arith.constant 288 : i32
      %add3A_173 = arith.addi %mul3A_171, %add3A_172 : i32
      %swap3A_174 = arith.index_cast %add3A_173 : i32 to index
      %swap3A_175 = tpu.vector_load %arg8[%swap3A_174] {strides = array<i32>} : memref<65536xf32, #tpu.memory_space<vmem>>, vector<16xf32>,
      tpu.vector_store %arg8[%swap3A_174], %broadcast_in_dim3A_7 {strides = array<i32>} : memref<65536xf32, #tpu.memory_space<vmem>>, vector<16xf32>,
      %mul3A_176 = arith.constant 1024 : i32
      %mul3A_177 = arith.muli %scan3A_61, %mul3A_176 : i32
      %add3A_178 = arith.constant 304 : i32
      %add3A_179 = arith.addi %mul3A_177, %add3A_178 : i32
      %swap3A_180 = arith.index_cast %add3A_179 : i32 to index
      %swap3A_181 = tpu.vector_load %arg8[%swap3A_180] {strides = array<i32>} : memref<65536xf32, #tpu.memory_space<vmem>>, vector<16xf32>,
      tpu.vector_store %arg8[%swap3A_180], %broadcast_in_dim3A_7 {strides = array<i32>} : memref<65536xf32, #tpu.memory_space<vmem>>, vector<16xf32>,
      %mul3A_182 = arith.constant 1024 : i32
      %mul3A_183 = arith.muli %scan3A_61, %mul3A_182 : i32
      %add3A_184 = arith.constant 320 : i32
      %add3A_185 = arith.addi %mul3A_183, %add3A_184 : i32
      %swap3A_186 = arith.index_cast %add3A_185 : i32 to index
      %swap3A_187 = tpu.vector_load %arg8[%swap3A_186] {strides = array<i32>} : memref<65536xf32, #tpu.memory_space<vmem>>, vector<16xf32>,
      tpu.vector_store %arg8[%swap3A_186], %broadcast_in_dim3A_7 {strides = array<i32>} : memref<65536xf32, #tpu.memory_space<vmem>>, vector<16xf32>,
      %mul3A_188 = arith.constant 1024 : i32
      %mul3A_189 = arith.muli %scan3A_61, %mul3A_188 : i32
      %add3A_190 = arith.constant 336 : i32
      %add3A_191 = arith.addi %mul3A_189, %add3A_190 : i32
      %swap3A_192 = arith.index_cast %add3A_191 : i32 to index
      %swap3A_193 = tpu.vector_load %arg8[%swap3A_192] {strides = array<i32>} : memref<65536xf32, #tpu.memory_space<vmem>>, vector<16xf32>,
      tpu.vector_store %arg8[%swap3A_192], %broadcast_in_dim3A_7 {strides = array<i32>} : memref<65536xf32, #tpu.memory_space<vmem>>, vector<16xf32>,
      %mul3A_194 = arith.constant 1024 : i32
      %mul3A_195 = arith.muli %scan3A_61, %mul3A_194 : i32
      %add3A_196 = arith.constant 352 : i32
      %add3A_197 = arith.addi %mul3A_195, %add3A_196 : i32
      %swap3A_198 = arith.index_cast %add3A_197 : i32 to index
      %swap3A_199 = tpu.vector_load %arg8[%swap3A_198] {strides = array<i32>} : memref<65536xf32, #tpu.memory_space<vmem>>, vector<16xf32>,
      tpu.vector_store %arg8[%swap3A_198], %broadcast_in_dim3A_7 {strides = array<i32>} : memref<65536xf32, #tpu.memory_space<vmem>>, vector<16xf32>,
      %mul3A_200 = arith.constant 1024 : i32
      %mul3A_201 = arith.muli %scan3A_61, %mul3A_200 : i32
      %add3A_202 = arith.constant 368 : i32
      %add3A_203 = arith.addi %mul3A_201, %add3A_202 : i32
      %swap3A_204 = arith.index_cast %add3A_203 : i32 to index
      %swap3A_205 = tpu.vector_load %arg8[%swap3A_204] {strides = array<i32>} : memref<65536xf32, #tpu.memory_space<vmem>>, vector<16xf32>,
      tpu.vector_store %arg8[%swap3A_204], %broadcast_in_dim3A_7 {strides = array<i32>} : memref<65536xf32, #tpu.memory_space<vmem>>, vector<16xf32>,
      %mul3A_206 = arith.constant 1024 : i32
      %mul3A_207 = arith.muli %scan3A_61, %mul3A_206 : i32
      %add3A_208 = arith.constant 384 : i32
      %add3A_209 = arith.addi %mul3A_207, %add3A_208 : i32
      %swap3A_210 = arith.index_cast %add3A_209 : i32 to index
      %swap3A_211 = tpu.vector_load %arg8[%swap3A_210] {strides = array<i32>} : memref<65536xf32, #tpu.memory_space<vmem>>, vector<16xf32>,
      tpu.vector_store %arg8[%swap3A_210], %broadcast_in_dim3A_7 {strides = array<i32>} : memref<65536xf32, #tpu.memory_space<vmem>>, vector<16xf32>,
      %mul3A_212 = arith.constant 1024 : i32
      %mul3A_213 = arith.muli %scan3A_61, %mul3A_212 : i32
      %add3A_214 = arith.constant 400 : i32
      %add3A_215 = arith.addi %mul3A_213, %add3A_214 : i32
      %swap3A_216 = arith.index_cast %add3A_215 : i32 to index
      %swap3A_217 = tpu.vector_load %arg8[%swap3A_216] {strides = array<i32>} : memref<65536xf32, #tpu.memory_space<vmem>>, vector<16xf32>,
      tpu.vector_store %arg8[%swap3A_216], %broadcast_in_dim3A_7 {strides = array<i32>} : memref<65536xf32, #tpu.memory_space<vmem>>, vector<16xf32>,
      %mul3A_218 = arith.constant 1024 : i32
      %mul3A_219 = arith.muli %scan3A_61, %mul3A_218 : i32
      %add3A_220 = arith.constant 416 : i32
      %add3A_221 = arith.addi %mul3A_219, %add3A_220 : i32
      %swap3A_222 = arith.index_cast %add3A_221 : i32 to index
      %swap3A_223 = tpu.vector_load %arg8[%swap3A_222] {strides = array<i32>} : memref<65536xf32, #tpu.memory_space<vmem>>, vector<16xf32>,
      tpu.vector_store %arg8[%swap3A_222], %broadcast_in_dim3A_7 {strides = array<i32>} : memref<65536xf32, #tpu.memory_space<vmem>>, vector<16xf32>,
      %mul3A_224 = arith.constant 1024 : i32
      %mul3A_225 = arith.muli %scan3A_61, %mul3A_224 : i32
      %add3A_226 = arith.constant 432 : i32
      %add3A_227 = arith.addi %mul3A_225, %add3A_226 : i32
      %swap3A_228 = arith.index_cast %add3A_227 : i32 to index
      %swap3A_229 = tpu.vector_load %arg8[%swap3A_228] {strides = array<i32>} : memref<65536xf32, #tpu.memory_space<vmem>>, vector<16xf32>,
      tpu.vector_store %arg8[%swap3A_228], %broadcast_in_dim3A_7 {strides = array<i32>} : memref<65536xf32, #tpu.memory_space<vmem>>, vector<16xf32>,
      %mul3A_230 = arith.constant 1024 : i32
      %mul3A_231 = arith.muli %scan3A_61, %mul3A_230 : i32
      %add3A_232 = arith.constant 448 : i32
      %add3A_233 = arith.addi %mul3A_231, %add3A_232 : i32
      %swap3A_234 = arith.index_cast %add3A_233 : i32 to index
      %swap3A_235 = tpu.vector_load %arg8[%swap3A_234] {strides = array<i32>} : memref<65536xf32, #tpu.memory_space<vmem>>, vector<16xf32>,
      tpu.vector_store %arg8[%swap3A_234], %broadcast_in_dim3A_7 {strides = array<i32>} : memref<65536xf32, #tpu.memory_space<vmem>>, vector<16xf32>,
      %mul3A_236 = arith.constant 1024 : i32
      %mul3A_237 = arith.muli %scan3A_61, %mul3A_236 : i32
      %add3A_238 = arith.constant 464 : i32
      %add3A_239 = arith.addi %mul3A_237, %add3A_238 : i32
      %swap3A_240 = arith.index_cast %add3A_239 : i32 to index
      %swap3A_241 = tpu.vector_load %arg8[%swap3A_240] {strides = array<i32>} : memref<65536xf32, #tpu.memory_space<vmem>>, vector<16xf32>,
      tpu.vector_store %arg8[%swap3A_240], %broadcast_in_dim3A_7 {strides = array<i32>} : memref<65536xf32, #tpu.memory_space<vmem>>, vector<16xf32>,
      %mul3A_242 = arith.constant 1024 : i32
      %mul3A_243 = arith.muli %scan3A_61, %mul3A_242 : i32
      %add3A_244 = arith.constant 480 : i32
      %add3A_245 = arith.addi %mul3A_243, %add3A_244 : i32
      %swap3A_246 = arith.index_cast %add3A_245 : i32 to index
      %swap3A_247 = tpu.vector_load %arg8[%swap3A_246] {strides = array<i32>} : memref<65536xf32, #tpu.memory_space<vmem>>, vector<16xf32>,
      tpu.vector_store %arg8[%swap3A_246], %broadcast_in_dim3A_7 {strides = array<i32>} : memref<65536xf32, #tpu.memory_space<vmem>>, vector<16xf32>,
      %mul3A_248 = arith.constant 1024 : i32
      %mul3A_249 = arith.muli %scan3A_61, %mul3A_248 : i32
      %add3A_250 = arith.constant 496 : i32
      %add3A_251 = arith.addi %mul3A_249, %add3A_250 : i32
      %swap3A_252 = arith.index_cast %add3A_251 : i32 to index
      %swap3A_253 = tpu.vector_load %arg8[%swap3A_252] {strides = array<i32>} : memref<65536xf32, #tpu.memory_space<vmem>>, vector<16xf32>,
      tpu.vector_store %arg8[%swap3A_252], %broadcast_in_dim3A_7 {strides = array<i32>} : memref<65536xf32, #tpu.memory_space<vmem>>, vector<16xf32>,
      %mul3A_254 = arith.constant 1024 : i32
      %mul3A_255 = arith.muli %scan3A_61, %mul3A_254 : i32
      %add3A_256 = arith.constant 512 : i32
      %add3A_257 = arith.addi %mul3A_255, %add3A_256 : i32
      %swap3A_258 = arith.index_cast %add3A_257 : i32 to index
      %swap3A_259 = tpu.vector_load %arg8[%swap3A_258] {strides = array<i32>} : memref<65536xf32, #tpu.memory_space<vmem>>, vector<16xf32>,
      tpu.vector_store %arg8[%swap3A_258], %broadcast_in_dim3A_7 {strides = array<i32>} : memref<65536xf32, #tpu.memory_space<vmem>>, vector<16xf32>,
      %mul3A_260 = arith.constant 1024 : i32
      %mul3A_261 = arith.muli %scan3A_61, %mul3A_260 : i32
      %add3A_262 = arith.constant 528 : i32
      %add3A_263 = arith.addi %mul3A_261, %add3A_262 : i32
      %swap3A_264 = arith.index_cast %add3A_263 : i32 to index
      %swap3A_265 = tpu.vector_load %arg8[%swap3A_264] {strides = array<i32>} : memref<65536xf32, #tpu.memory_space<vmem>>, vector<16xf32>,
      tpu.vector_store %arg8[%swap3A_264], %broadcast_in_dim3A_7 {strides = array<i32>} : memref<65536xf32, #tpu.memory_space<vmem>>, vector<16xf32>,
      %mul3A_266 = arith.constant 1024 : i32
      %mul3A_267 = arith.muli %scan3A_61, %mul3A_266 : i32
      %add3A_268 = arith.constant 544 : i32
      %add3A_269 = arith.addi %mul3A_267, %add3A_268 : i32
      %swap3A_270 = arith.index_cast %add3A_269 : i32 to index
      %swap3A_271 = tpu.vector_load %arg8[%swap3A_270] {strides = array<i32>} : memref<65536xf32, #tpu.memory_space<vmem>>, vector<16xf32>,
      tpu.vector_store %arg8[%swap3A_270], %broadcast_in_dim3A_7 {strides = array<i32>} : memref<65536xf32, #tpu.memory_space<vmem>>, vector<16xf32>,
      %mul3A_272 = arith.constant 1024 : i32
      %mul3A_273 = arith.muli %scan3A_61, %mul3A_272 : i32
      %add3A_274 = arith.constant 560 : i32
      %add3A_275 = arith.addi %mul3A_273, %add3A_274 : i32
      %swap3A_276 = arith.index_cast %add3A_275 : i32 to index
      %swap3A_277 = tpu.vector_load %arg8[%swap3A_276] {strides = array<i32>} : memref<65536xf32, #tpu.memory_space<vmem>>, vector<16xf32>,
      tpu.vector_store %arg8[%swap3A_276], %broadcast_in_dim3A_7 {strides = array<i32>} : memref<65536xf32, #tpu.memory_space<vmem>>, vector<16xf32>,
      %mul3A_278 = arith.constant 1024 : i32
      %mul3A_279 = arith.muli %scan3A_61, %mul3A_278 : i32
      %add3A_280 = arith.constant 576 : i32
      %add3A_281 = arith.addi %mul3A_279, %add3A_280 : i32
      %swap3A_282 = arith.index_cast %add3A_281 : i32 to index
      %swap3A_283 = tpu.vector_load %arg8[%swap3A_282] {strides = array<i32>} : memref<65536xf32, #tpu.memory_space<vmem>>, vector<16xf32>,
      tpu.vector_store %arg8[%swap3A_282], %broadcast_in_dim3A_7 {strides = array<i32>} : memref<65536xf32, #tpu.memory_space<vmem>>, vector<16xf32>,
      %mul3A_284 = arith.constant 1024 : i32
      %mul3A_285 = arith.muli %scan3A_61, %mul3A_284 : i32
      %add3A_286 = arith.constant 592 : i32
      %add3A_287 = arith.addi %mul3A_285, %add3A_286 : i32
      %swap3A_288 = arith.index_cast %add3A_287 : i32 to index
      %swap3A_289 = tpu.vector_load %arg8[%swap3A_288] {strides = array<i32>} : memref<65536xf32, #tpu.memory_space<vmem>>, vector<16xf32>,
      tpu.vector_store %arg8[%swap3A_288], %broadcast_in_dim3A_7 {strides = array<i32>} : memref<65536xf32, #tpu.memory_space<vmem>>, vector<16xf32>,
      %mul3A_290 = arith.constant 1024 : i32
      %mul3A_291 = arith.muli %scan3A_61, %mul3A_290 : i32
      %add3A_292 = arith.constant 608 : i32
      %add3A_293 = arith.addi %mul3A_291, %add3A_292 : i32
      %swap3A_294 = arith.index_cast %add3A_293 : i32 to index
      %swap3A_295 = tpu.vector_load %arg8[%swap3A_294] {strides = array<i32>} : memref<65536xf32, #tpu.memory_space<vmem>>, vector<16xf32>,
      tpu.vector_store %arg8[%swap3A_294], %broadcast_in_dim3A_7 {strides = array<i32>} : memref<65536xf32, #tpu.memory_space<vmem>>, vector<16xf32>,
      %mul3A_296 = arith.constant 1024 : i32
      %mul3A_297 = arith.muli %scan3A_61, %mul3A_296 : i32
      %add3A_298 = arith.constant 624 : i32
      %add3A_299 = arith.addi %mul3A_297, %add3A_298 : i32
      %swap3A_300 = arith.index_cast %add3A_299 : i32 to index
      %swap3A_301 = tpu.vector_load %arg8[%swap3A_300] {strides = array<i32>} : memref<65536xf32, #tpu.memory_space<vmem>>, vector<16xf32>,
      tpu.vector_store %arg8[%swap3A_300], %broadcast_in_dim3A_7 {strides = array<i32>} : memref<65536xf32, #tpu.memory_space<vmem>>, vector<16xf32>,
      %mul3A_302 = arith.constant 1024 : i32
      %mul3A_303 = arith.muli %scan3A_61, %mul3A_302 : i32
      %add3A_304 = arith.constant 640 : i32
      %add3A_305 = arith.addi %mul3A_303, %add3A_304 : i32
      %swap3A_306 = arith.index_cast %add3A_305 : i32 to index
      %swap3A_307 = tpu.vector_load %arg8[%swap3A_306] {strides = array<i32>} : memref<65536xf32, #tpu.memory_space<vmem>>, vector<16xf32>,
      tpu.vector_store %arg8[%swap3A_306], %broadcast_in_dim3A_7 {strides = array<i32>} : memref<65536xf32, #tpu.memory_space<vmem>>, vector<16xf32>,
      %mul3A_308 = arith.constant 1024 : i32
      %mul3A_309 = arith.muli %scan3A_61, %mul3A_308 : i32
      %add3A_310 = arith.constant 656 : i32
      %add3A_311 = arith.addi %mul3A_309, %add3A_310 : i32
      %swap3A_312 = arith.index_cast %add3A_311 : i32 to index
      %swap3A_313 = tpu.vector_load %arg8[%swap3A_312] {strides = array<i32>} : memref<65536xf32, #tpu.memory_space<vmem>>, vector<16xf32>,
      tpu.vector_store %arg8[%swap3A_312], %broadcast_in_dim3A_7 {strides = array<i32>} : memref<65536xf32, #tpu.memory_space<vmem>>, vector<16xf32>,
      %mul3A_314 = arith.constant 1024 : i32
      %mul3A_315 = arith.muli %scan3A_61, %mul3A_314 : i32
      %add3A_316 = arith.constant 672 : i32
      %add3A_317 = arith.addi %mul3A_315, %add3A_316 : i32
      %swap3A_318 = arith.index_cast %add3A_317 : i32 to index
      %swap3A_319 = tpu.vector_load %arg8[%swap3A_318] {strides = array<i32>} : memref<65536xf32, #tpu.memory_space<vmem>>, vector<16xf32>,
      tpu.vector_store %arg8[%swap3A_318], %broadcast_in_dim3A_7 {strides = array<i32>} : memref<65536xf32, #tpu.memory_space<vmem>>, vector<16xf32>,
      %mul3A_320 = arith.constant 1024 : i32
      %mul3A_321 = arith.muli %scan3A_61, %mul3A_320 : i32
      %add3A_322 = arith.constant 688 : i32
      %add3A_323 = arith.addi %mul3A_321, %add3A_322 : i32
      %swap3A_324 = arith.index_cast %add3A_323 : i32 to index
      %swap3A_325 = tpu.vector_load %arg8[%swap3A_324] {strides = array<i32>} : memref<65536xf32, #tpu.memory_space<vmem>>, vector<16xf32>,
      tpu.vector_store %arg8[%swap3A_324], %broadcast_in_dim3A_7 {strides = array<i32>} : memref<65536xf32, #tpu.memory_space<vmem>>, vector<16xf32>,
      %mul3A_326 = arith.constant 1024 : i32
      %mul3A_327 = arith.muli %scan3A_61, %mul3A_326 : i32
      %add3A_328 = arith.constant 704 : i32
      %add3A_329 = arith.addi %mul3A_327, %add3A_328 : i32
      %swap3A_330 = arith.index_cast %add3A_329 : i32 to index
      %swap3A_331 = tpu.vector_load %arg8[%swap3A_330] {strides = array<i32>} : memref<65536xf32, #tpu.memory_space<vmem>>, vector<16xf32>,
      tpu.vector_store %arg8[%swap3A_330], %broadcast_in_dim3A_7 {strides = array<i32>} : memref<65536xf32, #tpu.memory_space<vmem>>, vector<16xf32>,
      %mul3A_332 = arith.constant 1024 : i32
      %mul3A_333 = arith.muli %scan3A_61, %mul3A_332 : i32
      %add3A_334 = arith.constant 720 : i32
      %add3A_335 = arith.addi %mul3A_333, %add3A_334 : i32
      %swap3A_336 = arith.index_cast %add3A_335 : i32 to index
      %swap3A_337 = tpu.vector_load %arg8[%swap3A_336] {strides = array<i32>} : memref<65536xf32, #tpu.memory_space<vmem>>, vector<16xf32>,
      tpu.vector_store %arg8[%swap3A_336], %broadcast_in_dim3A_7 {strides = array<i32>} : memref<65536xf32, #tpu.memory_space<vmem>>, vector<16xf32>,
      %mul3A_338 = arith.constant 1024 : i32
      %mul3A_339 = arith.muli %scan3A_61, %mul3A_338 : i32
      %add3A_340 = arith.constant 736 : i32
      %add3A_341 = arith.addi %mul3A_339, %add3A_340 : i32
      %swap3A_342 = arith.index_cast %add3A_341 : i32 to index
      %swap3A_343 = tpu.vector_load %arg8[%swap3A_342] {strides = array<i32>} : memref<65536xf32, #tpu.memory_space<vmem>>, vector<16xf32>,
      tpu.vector_store %arg8[%swap3A_342], %broadcast_in_dim3A_7 {strides = array<i32>} : memref<65536xf32, #tpu.memory_space<vmem>>, vector<16xf32>,
      %mul3A_344 = arith.constant 1024 : i32
      %mul3A_345 = arith.muli %scan3A_61, %mul3A_344 : i32
      %add3A_346 = arith.constant 752 : i32
      %add3A_347 = arith.addi %mul3A_345, %add3A_346 : i32
      %swap3A_348 = arith.index_cast %add3A_347 : i32 to index
      %swap3A_349 = tpu.vector_load %arg8[%swap3A_348] {strides = array<i32>} : memref<65536xf32, #tpu.memory_space<vmem>>, vector<16xf32>,
      tpu.vector_store %arg8[%swap3A_348], %broadcast_in_dim3A_7 {strides = array<i32>} : memref<65536xf32, #tpu.memory_space<vmem>>, vector<16xf32>,
      %mul3A_350 = arith.constant 1024 : i32
      %mul3A_351 = arith.muli %scan3A_61, %mul3A_350 : i32
      %add3A_352 = arith.constant 768 : i32
      %add3A_353 = arith.addi %mul3A_351, %add3A_352 : i32
      %swap3A_354 = arith.index_cast %add3A_353 : i32 to index
      %swap3A_355 = tpu.vector_load %arg8[%swap3A_354] {strides = array<i32>} : memref<65536xf32, #tpu.memory_space<vmem>>, vector<16xf32>,
      tpu.vector_store %arg8[%swap3A_354], %broadcast_in_dim3A_7 {strides = array<i32>} : memref<65536xf32, #tpu.memory_space<vmem>>, vector<16xf32>,
      %mul3A_356 = arith.constant 1024 : i32
      %mul3A_357 = arith.muli %scan3A_61, %mul3A_356 : i32
      %add3A_358 = arith.constant 784 : i32
      %add3A_359 = arith.addi %mul3A_357, %add3A_358 : i32
      %swap3A_360 = arith.index_cast %add3A_359 : i32 to index
      %swap3A_361 = tpu.vector_load %arg8[%swap3A_360] {strides = array<i32>} : memref<65536xf32, #tpu.memory_space<vmem>>, vector<16xf32>,
      tpu.vector_store %arg8[%swap3A_360], %broadcast_in_dim3A_7 {strides = array<i32>} : memref<65536xf32, #tpu.memory_space<vmem>>, vector<16xf32>,
      %mul3A_362 = arith.constant 1024 : i32
      %mul3A_363 = arith.muli %scan3A_61, %mul3A_362 : i32
      %add3A_364 = arith.constant 800 : i32
      %add3A_365 = arith.addi %mul3A_363, %add3A_364 : i32
      %swap3A_366 = arith.index_cast %add3A_365 : i32 to index
      %swap3A_367 = tpu.vector_load %arg8[%swap3A_366] {strides = array<i32>} : memref<65536xf32, #tpu.memory_space<vmem>>, vector<16xf32>,
      tpu.vector_store %arg8[%swap3A_366], %broadcast_in_dim3A_7 {strides = array<i32>} : memref<65536xf32, #tpu.memory_space<vmem>>, vector<16xf32>,
      %mul3A_368 = arith.constant 1024 : i32
      %mul3A_369 = arith.muli %scan3A_61, %mul3A_368 : i32
      %add3A_370 = arith.constant 816 : i32
      %add3A_371 = arith.addi %mul3A_369, %add3A_370 : i32
      %swap3A_372 = arith.index_cast %add3A_371 : i32 to index
      %swap3A_373 = tpu.vector_load %arg8[%swap3A_372] {strides = array<i32>} : memref<65536xf32, #tpu.memory_space<vmem>>, vector<16xf32>,
      tpu.vector_store %arg8[%swap3A_372], %broadcast_in_dim3A_7 {strides = array<i32>} : memref<65536xf32, #tpu.memory_space<vmem>>, vector<16xf32>,
      %mul3A_374 = arith.constant 1024 : i32
      %mul3A_375 = arith.muli %scan3A_61, %mul3A_374 : i32
      %add3A_376 = arith.constant 832 : i32
      %add3A_377 = arith.addi %mul3A_375, %add3A_376 : i32
      %swap3A_378 = arith.index_cast %add3A_377 : i32 to index
      %swap3A_379 = tpu.vector_load %arg8[%swap3A_378] {strides = array<i32>} : memref<65536xf32, #tpu.memory_space<vmem>>, vector<16xf32>,
      tpu.vector_store %arg8[%swap3A_378], %broadcast_in_dim3A_7 {strides = array<i32>} : memref<65536xf32, #tpu.memory_space<vmem>>, vector<16xf32>,
      %mul3A_380 = arith.constant 1024 : i32
      %mul3A_381 = arith.muli %scan3A_61, %mul3A_380 : i32
      %add3A_382 = arith.constant 848 : i32
      %add3A_383 = arith.addi %mul3A_381, %add3A_382 : i32
      %swap3A_384 = arith.index_cast %add3A_383 : i32 to index
      %swap3A_385 = tpu.vector_load %arg8[%swap3A_384] {strides = array<i32>} : memref<65536xf32, #tpu.memory_space<vmem>>, vector<16xf32>,
      tpu.vector_store %arg8[%swap3A_384], %broadcast_in_dim3A_7 {strides = array<i32>} : memref<65536xf32, #tpu.memory_space<vmem>>, vector<16xf32>,
      %mul3A_386 = arith.constant 1024 : i32
      %mul3A_387 = arith.muli %scan3A_61, %mul3A_386 : i32
      %add3A_388 = arith.constant 864 : i32
      %add3A_389 = arith.addi %mul3A_387, %add3A_388 : i32
      %swap3A_390 = arith.index_cast %add3A_389 : i32 to index
      %swap3A_391 = tpu.vector_load %arg8[%swap3A_390] {strides = array<i32>} : memref<65536xf32, #tpu.memory_space<vmem>>, vector<16xf32>,
      tpu.vector_store %arg8[%swap3A_390], %broadcast_in_dim3A_7 {strides = array<i32>} : memref<65536xf32, #tpu.memory_space<vmem>>, vector<16xf32>,
      %mul3A_392 = arith.constant 1024 : i32
      %mul3A_393 = arith.muli %scan3A_61, %mul3A_392 : i32
      %add3A_394 = arith.constant 880 : i32
      %add3A_395 = arith.addi %mul3A_393, %add3A_394 : i32
      %swap3A_396 = arith.index_cast %add3A_395 : i32 to index
      %swap3A_397 = tpu.vector_load %arg8[%swap3A_396] {strides = array<i32>} : memref<65536xf32, #tpu.memory_space<vmem>>, vector<16xf32>,
      tpu.vector_store %arg8[%swap3A_396], %broadcast_in_dim3A_7 {strides = array<i32>} : memref<65536xf32, #tpu.memory_space<vmem>>, vector<16xf32>,
      %mul3A_398 = arith.constant 1024 : i32
      %mul3A_399 = arith.muli %scan3A_61, %mul3A_398 : i32
      %add3A_400 = arith.constant 896 : i32
      %add3A_401 = arith.addi %mul3A_399, %add3A_400 : i32
      %swap3A_402 = arith.index_cast %add3A_401 : i32 to index
      %swap3A_403 = tpu.vector_load %arg8[%swap3A_402] {strides = array<i32>} : memref<65536xf32, #tpu.memory_space<vmem>>, vector<16xf32>,
      tpu.vector_store %arg8[%swap3A_402], %broadcast_in_dim3A_7 {strides = array<i32>} : memref<65536xf32, #tpu.memory_space<vmem>>, vector<16xf32>,
      %mul3A_404 = arith.constant 1024 : i32
      %mul3A_405 = arith.muli %scan3A_61, %mul3A_404 : i32
      %add3A_406 = arith.constant 912 : i32
      %add3A_407 = arith.addi %mul3A_405, %add3A_406 : i32
      %swap3A_408 = arith.index_cast %add3A_407 : i32 to index
      %swap3A_409 = tpu.vector_load %arg8[%swap3A_408] {strides = array<i32>} : memref<65536xf32, #tpu.memory_space<vmem>>, vector<16xf32>,
      tpu.vector_store %arg8[%swap3A_408], %broadcast_in_dim3A_7 {strides = array<i32>} : memref<65536xf32, #tpu.memory_space<vmem>>, vector<16xf32>,
      %mul3A_410 = arith.constant 1024 : i32
      %mul3A_411 = arith.muli %scan3A_61, %mul3A_410 : i32
      %add3A_412 = arith.constant 928 : i32
      %add3A_413 = arith.addi %mul3A_411, %add3A_412 : i32
      %swap3A_414 = arith.index_cast %add3A_413 : i32 to index
      %swap3A_415 = tpu.vector_load %arg8[%swap3A_414] {strides = array<i32>} : memref<65536xf32, #tpu.memory_space<vmem>>, vector<16xf32>,
      tpu.vector_store %arg8[%swap3A_414], %broadcast_in_dim3A_7 {strides = array<i32>} : memref<65536xf32, #tpu.memory_space<vmem>>, vector<16xf32>,
      %mul3A_416 = arith.constant 1024 : i32
      %mul3A_417 = arith.muli %scan3A_61, %mul3A_416 : i32
      %add3A_418 = arith.constant 944 : i32
      %add3A_419 = arith.addi %mul3A_417, %add3A_418 : i32
      %swap3A_420 = arith.index_cast %add3A_419 : i32 to index
      %swap3A_421 = tpu.vector_load %arg8[%swap3A_420] {strides = array<i32>} : memref<65536xf32, #tpu.memory_space<vmem>>, vector<16xf32>,
      tpu.vector_store %arg8[%swap3A_420], %broadcast_in_dim3A_7 {strides = array<i32>} : memref<65536xf32, #tpu.memory_space<vmem>>, vector<16xf32>,
      %mul3A_422 = arith.constant 1024 : i32
      %mul3A_423 = arith.muli %scan3A_61, %mul3A_422 : i32
      %add3A_424 = arith.constant 960 : i32
      %add3A_425 = arith.addi %mul3A_423, %add3A_424 : i32
      %swap3A_426 = arith.index_cast %add3A_425 : i32 to index
      %swap3A_427 = tpu.vector_load %arg8[%swap3A_426] {strides = array<i32>} : memref<65536xf32, #tpu.memory_space<vmem>>, vector<16xf32>,
      tpu.vector_store %arg8[%swap3A_426], %broadcast_in_dim3A_7 {strides = array<i32>} : memref<65536xf32, #tpu.memory_space<vmem>>, vector<16xf32>,
      %mul3A_428 = arith.constant 1024 : i32
      %mul3A_429 = arith.muli %scan3A_61, %mul3A_428 : i32
      %add3A_430 = arith.constant 976 : i32
      %add3A_431 = arith.addi %mul3A_429, %add3A_430 : i32
      %swap3A_432 = arith.index_cast %add3A_431 : i32 to index
      %swap3A_433 = tpu.vector_load %arg8[%swap3A_432] {strides = array<i32>} : memref<65536xf32, #tpu.memory_space<vmem>>, vector<16xf32>,
      tpu.vector_store %arg8[%swap3A_432], %broadcast_in_dim3A_7 {strides = array<i32>} : memref<65536xf32, #tpu.memory_space<vmem>>, vector<16xf32>,
      %mul3A_434 = arith.constant 1024 : i32
      %mul3A_435 = arith.muli %scan3A_61, %mul3A_434 : i32
      %add3A_436 = arith.constant 992 : i32
      %add3A_437 = arith.addi %mul3A_435, %add3A_436 : i32
      %swap3A_438 = arith.index_cast %add3A_437 : i32 to index
      %swap3A_439 = tpu.vector_load %arg8[%swap3A_438] {strides = array<i32>} : memref<65536xf32, #tpu.memory_space<vmem>>, vector<16xf32>,
      tpu.vector_store %arg8[%swap3A_438], %broadcast_in_dim3A_7 {strides = array<i32>} : memref<65536xf32, #tpu.memory_space<vmem>>, vector<16xf32>,
      %mul3A_440 = arith.constant 1024 : i32
      %mul3A_441 = arith.muli %scan3A_61, %mul3A_440 : i32
      %add3A_442 = arith.constant 1008 : i32
      %add3A_443 = arith.addi %mul3A_441, %add3A_442 : i32
      %swap3A_444 = arith.index_cast %add3A_443 : i32 to index
      %swap3A_445 = tpu.vector_load %arg8[%swap3A_444] {strides = array<i32>} : memref<65536xf32, #tpu.memory_space<vmem>>, vector<16xf32>,
      tpu.vector_store %arg8[%swap3A_444], %broadcast_in_dim3A_7 {strides = array<i32>} : memref<65536xf32, #tpu.memory_space<vmem>>, vector<16xf32>,
      %scan3A_446 = arith.constant 0 : i32
      scf.yield %scan3A_446 : i32
    }
    %scan3A_21 = arith.constant 64 : i32
    %scan3A_22 = arith.constant 0 : i32
    %scan3A_23 = arith.constant 0 : i32
    %scan3A_24 = arith.constant 50 : i32
    %scan3A_25 = arith.addi %scan3A_23, %scan3A_24 : i32
    %scan3A_26 = arith.constant 1 : i32
    %scan3A_27 = scf.for %scan3A_61 = %scan3A_23 to %scan3A_25 step %scan3A_26 iter_args(%scan3A_62 = %scan3A_22) -> (i32)  : i32 {
      %add3A_63 = arith.constant 0 : i32
      %add3A_64 = arith.addi %add3A_63, %scan3A_61 : i32
      %add3A_65 = vector.broadcast %add3A_64 : i32 to vector<16xi32>
      %add3A_66 = arith.addi %mul3A_12, %add3A_65 : vector<16xi32>
      %gather3A = tpu.vector_load_idx %arg7[%add3A_66] : memref<6400xi32, #tpu.memory_space<vmem>>[vector<16xi32>], vector<16xi32>,
      %add3A_67 = arith.constant 0 : i32
      %add3A_68 = vector.broadcast %add3A_67 : i32 to vector<16xi32>
      %add3A_69 = arith.addi %gather3A, %add3A_68 : vector<16xi32>
      %add3A_70 = arith.addi %mul3A_15, %add3A_69 : vector<16xi32>
      tpu.vector_store_idx %arg8[%add3A_70], %broadcast_in_dim3A_9 {add = true} : memref<65536xf32, #tpu.memory_space<vmem>>[vector<16xi32>], vector<16xf32>,
      %add3A_71 = arith.constant 800 : i32
      %add3A_72 = arith.addi %add3A_71, %scan3A_61 : i32
      %add3A_73 = vector.broadcast %add3A_72 : i32 to vector<16xi32>
      %add3A_74 = arith.addi %mul3A_12, %add3A_73 : vector<16xi32>
      %gather3A_75 = tpu.vector_load_idx %arg7[%add3A_74] : memref<6400xi32, #tpu.memory_space<vmem>>[vector<16xi32>], vector<16xi32>,
      %add3A_76 = arith.constant 16384 : i32
      %add3A_77 = vector.broadcast %add3A_76 : i32 to vector<16xi32>
      %add3A_78 = arith.addi %gather3A_75, %add3A_77 : vector<16xi32>
      %add3A_79 = arith.addi %mul3A_15, %add3A_78 : vector<16xi32>
      tpu.vector_store_idx %arg8[%add3A_79], %broadcast_in_dim3A_9 {add = true} : memref<65536xf32, #tpu.memory_space<vmem>>[vector<16xi32>], vector<16xf32>,
      %add3A_80 = arith.constant 1600 : i32
      %add3A_81 = arith.addi %add3A_80, %scan3A_61 : i32
      %add3A_82 = vector.broadcast %add3A_81 : i32 to vector<16xi32>
      %add3A_83 = arith.addi %mul3A_12, %add3A_82 : vector<16xi32>
      %gather3A_84 = tpu.vector_load_idx %arg7[%add3A_83] : memref<6400xi32, #tpu.memory_space<vmem>>[vector<16xi32>], vector<16xi32>,
      %add3A_85 = arith.constant 32768 : i32
      %add3A_86 = vector.broadcast %add3A_85 : i32 to vector<16xi32>
      %add3A_87 = arith.addi %gather3A_84, %add3A_86 : vector<16xi32>
      %add3A_88 = arith.addi %mul3A_15, %add3A_87 : vector<16xi32>
      tpu.vector_store_idx %arg8[%add3A_88], %broadcast_in_dim3A_9 {add = true} : memref<65536xf32, #tpu.memory_space<vmem>>[vector<16xi32>], vector<16xf32>,
      %add3A_89 = arith.constant 2400 : i32
      %add3A_90 = arith.addi %add3A_89, %scan3A_61 : i32
      %add3A_91 = vector.broadcast %add3A_90 : i32 to vector<16xi32>
      %add3A_92 = arith.addi %mul3A_12, %add3A_91 : vector<16xi32>
      %gather3A_93 = tpu.vector_load_idx %arg7[%add3A_92] : memref<6400xi32, #tpu.memory_space<vmem>>[vector<16xi32>], vector<16xi32>,
      %add3A_94 = arith.constant 49152 : i32
      %add3A_95 = vector.broadcast %add3A_94 : i32 to vector<16xi32>
      %add3A_96 = arith.addi %gather3A_93, %add3A_95 : vector<16xi32>
      %add3A_97 = arith.addi %mul3A_15, %add3A_96 : vector<16xi32>
      tpu.vector_store_idx %arg8[%add3A_97], %broadcast_in_dim3A_9 {add = true} : memref<65536xf32, #tpu.memory_space<vmem>>[vector<16xi32>], vector<16xf32>,
      %scan3A_98 = arith.constant 0 : i32
      scf.yield %scan3A_98 : i32
    }
    %scan3A_28 = arith.constant 50 : i32
    %add3A_29 = arith.constant 0 : i32
    %add3A_30 = arith.addi %mul3A_2, %add3A_29 : i32
    %mul3A_31 = arith.constant 1024 : i32
    %mul3A_32 = arith.muli %add3A_30, %mul3A_31 : i32
    %dma_start3A_33 = tpu.memref_slice %arg5[%mul3A_32] : memref<4194304xf32, #tpu.memory_space<hbm>> -> memref<65536xf32, #tpu.memory_space<hbm>>
    %dma_start3A_34 = tpu.memref_slice %arg5[%mul3A_32] : memref<4194304xf32, #tpu.memory_space<hbm>> -> memref<65536xf32, #tpu.memory_space<hbm>>
    tpu.enqueue_dma source(%arg8 : memref<65536xf32, #tpu.memory_space<vmem>>) target(%dma_start3A_34 : memref<65536xf32, #tpu.memory_space<hbm>>) target_semaphore(%arg11 : memref<!tpu.dma_semaphore, #tpu.memory_space<semaphore_mem>>)
    %dma_wait3A = tpu.memref_slice %arg5[%mul3A_32] : memref<4194304xf32, #tpu.memory_space<hbm>> -> memref<65536xf32, #tpu.memory_space<hbm>>
    %dma_wait3A_35 = tpu.memref_slice %arg5[%mul3A_32] : memref<4194304xf32, #tpu.memory_space<hbm>> -> memref<65536xf32, #tpu.memory_space<hbm>>
    tpu.wait_dma2 semaphore(%arg11 : memref<!tpu.dma_semaphore, #tpu.memory_space<semaphore_mem>>) src(%arg8 : memref<65536xf32, #tpu.memory_space<vmem>>) dst(%dma_wait3A_35 : memref<65536xf32, #tpu.memory_space<hbm>>)
    %scan3A_36 = arith.constant 0 : i32
    %scan3A_37 = arith.constant 0 : i32
    %scan3A_38 = arith.constant 64 : i32
    %scan3A_39 = arith.addi %scan3A_37, %scan3A_38 : i32
    %scan3A_40 = arith.constant 1 : i32
    %scan3A_41 = scf.for %scan3A_61 = %scan3A_37 to %scan3A_39 step %scan3A_40 iter_args(%scan3A_62 = %scan3A_36) -> (i32)  : i32 {
      %mul3A_63 = arith.constant 1024 : i32
      %mul3A_64 = arith.muli %scan3A_61, %mul3A_63 : i32
      %add3A_65 = arith.constant 0 : i32
      %add3A_66 = arith.addi %mul3A_64, %add3A_65 : i32
      %swap3A = arith.index_cast %add3A_66 : i32 to index
      %swap3A_67 = tpu.vector_load %arg8[%swap3A] {strides = array<i32>} : memref<65536xf32, #tpu.memory_space<vmem>>, vector<16xf32>,
      tpu.vector_store %arg8[%swap3A], %broadcast_in_dim3A_7 {strides = array<i32>} : memref<65536xf32, #tpu.memory_space<vmem>>, vector<16xf32>,
      %mul3A_68 = arith.constant 1024 : i32
      %mul3A_69 = arith.muli %scan3A_61, %mul3A_68 : i32
      %add3A_70 = arith.constant 16 : i32
      %add3A_71 = arith.addi %mul3A_69, %add3A_70 : i32
      %swap3A_72 = arith.index_cast %add3A_71 : i32 to index
      %swap3A_73 = tpu.vector_load %arg8[%swap3A_72] {strides = array<i32>} : memref<65536xf32, #tpu.memory_space<vmem>>, vector<16xf32>,
      tpu.vector_store %arg8[%swap3A_72], %broadcast_in_dim3A_7 {strides = array<i32>} : memref<65536xf32, #tpu.memory_space<vmem>>, vector<16xf32>,
      %mul3A_74 = arith.constant 1024 : i32
      %mul3A_75 = arith.muli %scan3A_61, %mul3A_74 : i32
      %add3A_76 = arith.constant 32 : i32
      %add3A_77 = arith.addi %mul3A_75, %add3A_76 : i32
      %swap3A_78 = arith.index_cast %add3A_77 : i32 to index
      %swap3A_79 = tpu.vector_load %arg8[%swap3A_78] {strides = array<i32>} : memref<65536xf32, #tpu.memory_space<vmem>>, vector<16xf32>,
      tpu.vector_store %arg8[%swap3A_78], %broadcast_in_dim3A_7 {strides = array<i32>} : memref<65536xf32, #tpu.memory_space<vmem>>, vector<16xf32>,
      %mul3A_80 = arith.constant 1024 : i32
      %mul3A_81 = arith.muli %scan3A_61, %mul3A_80 : i32
      %add3A_82 = arith.constant 48 : i32
      %add3A_83 = arith.addi %mul3A_81, %add3A_82 : i32
      %swap3A_84 = arith.index_cast %add3A_83 : i32 to index
      %swap3A_85 = tpu.vector_load %arg8[%swap3A_84] {strides = array<i32>} : memref<65536xf32, #tpu.memory_space<vmem>>, vector<16xf32>,
      tpu.vector_store %arg8[%swap3A_84], %broadcast_in_dim3A_7 {strides = array<i32>} : memref<65536xf32, #tpu.memory_space<vmem>>, vector<16xf32>,
      %mul3A_86 = arith.constant 1024 : i32
      %mul3A_87 = arith.muli %scan3A_61, %mul3A_86 : i32
      %add3A_88 = arith.constant 64 : i32
      %add3A_89 = arith.addi %mul3A_87, %add3A_88 : i32
      %swap3A_90 = arith.index_cast %add3A_89 : i32 to index
      %swap3A_91 = tpu.vector_load %arg8[%swap3A_90] {strides = array<i32>} : memref<65536xf32, #tpu.memory_space<vmem>>, vector<16xf32>,
      tpu.vector_store %arg8[%swap3A_90], %broadcast_in_dim3A_7 {strides = array<i32>} : memref<65536xf32, #tpu.memory_space<vmem>>, vector<16xf32>,
      %mul3A_92 = arith.constant 1024 : i32
      %mul3A_93 = arith.muli %scan3A_61, %mul3A_92 : i32
      %add3A_94 = arith.constant 80 : i32
      %add3A_95 = arith.addi %mul3A_93, %add3A_94 : i32
      %swap3A_96 = arith.index_cast %add3A_95 : i32 to index
      %swap3A_97 = tpu.vector_load %arg8[%swap3A_96] {strides = array<i32>} : memref<65536xf32, #tpu.memory_space<vmem>>, vector<16xf32>,
      tpu.vector_store %arg8[%swap3A_96], %broadcast_in_dim3A_7 {strides = array<i32>} : memref<65536xf32, #tpu.memory_space<vmem>>, vector<16xf32>,
      %mul3A_98 = arith.constant 1024 : i32
      %mul3A_99 = arith.muli %scan3A_61, %mul3A_98 : i32
      %add3A_100 = arith.constant 96 : i32
      %add3A_101 = arith.addi %mul3A_99, %add3A_100 : i32
      %swap3A_102 = arith.index_cast %add3A_101 : i32 to index
      %swap3A_103 = tpu.vector_load %arg8[%swap3A_102] {strides = array<i32>} : memref<65536xf32, #tpu.memory_space<vmem>>, vector<16xf32>,
      tpu.vector_store %arg8[%swap3A_102], %broadcast_in_dim3A_7 {strides = array<i32>} : memref<65536xf32, #tpu.memory_space<vmem>>, vector<16xf32>,
      %mul3A_104 = arith.constant 1024 : i32
      %mul3A_105 = arith.muli %scan3A_61, %mul3A_104 : i32
      %add3A_106 = arith.constant 112 : i32
      %add3A_107 = arith.addi %mul3A_105, %add3A_106 : i32
      %swap3A_108 = arith.index_cast %add3A_107 : i32 to index
      %swap3A_109 = tpu.vector_load %arg8[%swap3A_108] {strides = array<i32>} : memref<65536xf32, #tpu.memory_space<vmem>>, vector<16xf32>,
      tpu.vector_store %arg8[%swap3A_108], %broadcast_in_dim3A_7 {strides = array<i32>} : memref<65536xf32, #tpu.memory_space<vmem>>, vector<16xf32>,
      %mul3A_110 = arith.constant 1024 : i32
      %mul3A_111 = arith.muli %scan3A_61, %mul3A_110 : i32
      %add3A_112 = arith.constant 128 : i32
      %add3A_113 = arith.addi %mul3A_111, %add3A_112 : i32
      %swap3A_114 = arith.index_cast %add3A_113 : i32 to index
      %swap3A_115 = tpu.vector_load %arg8[%swap3A_114] {strides = array<i32>} : memref<65536xf32, #tpu.memory_space<vmem>>, vector<16xf32>,
      tpu.vector_store %arg8[%swap3A_114], %broadcast_in_dim3A_7 {strides = array<i32>} : memref<65536xf32, #tpu.memory_space<vmem>>, vector<16xf32>,
      %mul3A_116 = arith.constant 1024 : i32
      %mul3A_117 = arith.muli %scan3A_61, %mul3A_116 : i32
      %add3A_118 = arith.constant 144 : i32
      %add3A_119 = arith.addi %mul3A_117, %add3A_118 : i32
      %swap3A_120 = arith.index_cast %add3A_119 : i32 to index
      %swap3A_121 = tpu.vector_load %arg8[%swap3A_120] {strides = array<i32>} : memref<65536xf32, #tpu.memory_space<vmem>>, vector<16xf32>,
      tpu.vector_store %arg8[%swap3A_120], %broadcast_in_dim3A_7 {strides = array<i32>} : memref<65536xf32, #tpu.memory_space<vmem>>, vector<16xf32>,
      %mul3A_122 = arith.constant 1024 : i32
      %mul3A_123 = arith.muli %scan3A_61, %mul3A_122 : i32
      %add3A_124 = arith.constant 160 : i32
      %add3A_125 = arith.addi %mul3A_123, %add3A_124 : i32
      %swap3A_126 = arith.index_cast %add3A_125 : i32 to index
      %swap3A_127 = tpu.vector_load %arg8[%swap3A_126] {strides = array<i32>} : memref<65536xf32, #tpu.memory_space<vmem>>, vector<16xf32>,
      tpu.vector_store %arg8[%swap3A_126], %broadcast_in_dim3A_7 {strides = array<i32>} : memref<65536xf32, #tpu.memory_space<vmem>>, vector<16xf32>,
      %mul3A_128 = arith.constant 1024 : i32
      %mul3A_129 = arith.muli %scan3A_61, %mul3A_128 : i32
      %add3A_130 = arith.constant 176 : i32
      %add3A_131 = arith.addi %mul3A_129, %add3A_130 : i32
      %swap3A_132 = arith.index_cast %add3A_131 : i32 to index
      %swap3A_133 = tpu.vector_load %arg8[%swap3A_132] {strides = array<i32>} : memref<65536xf32, #tpu.memory_space<vmem>>, vector<16xf32>,
      tpu.vector_store %arg8[%swap3A_132], %broadcast_in_dim3A_7 {strides = array<i32>} : memref<65536xf32, #tpu.memory_space<vmem>>, vector<16xf32>,
      %mul3A_134 = arith.constant 1024 : i32
      %mul3A_135 = arith.muli %scan3A_61, %mul3A_134 : i32
      %add3A_136 = arith.constant 192 : i32
      %add3A_137 = arith.addi %mul3A_135, %add3A_136 : i32
      %swap3A_138 = arith.index_cast %add3A_137 : i32 to index
      %swap3A_139 = tpu.vector_load %arg8[%swap3A_138] {strides = array<i32>} : memref<65536xf32, #tpu.memory_space<vmem>>, vector<16xf32>,
      tpu.vector_store %arg8[%swap3A_138], %broadcast_in_dim3A_7 {strides = array<i32>} : memref<65536xf32, #tpu.memory_space<vmem>>, vector<16xf32>,
      %mul3A_140 = arith.constant 1024 : i32
      %mul3A_141 = arith.muli %scan3A_61, %mul3A_140 : i32
      %add3A_142 = arith.constant 208 : i32
      %add3A_143 = arith.addi %mul3A_141, %add3A_142 : i32
      %swap3A_144 = arith.index_cast %add3A_143 : i32 to index
      %swap3A_145 = tpu.vector_load %arg8[%swap3A_144] {strides = array<i32>} : memref<65536xf32, #tpu.memory_space<vmem>>, vector<16xf32>,
      tpu.vector_store %arg8[%swap3A_144], %broadcast_in_dim3A_7 {strides = array<i32>} : memref<65536xf32, #tpu.memory_space<vmem>>, vector<16xf32>,
      %mul3A_146 = arith.constant 1024 : i32
      %mul3A_147 = arith.muli %scan3A_61, %mul3A_146 : i32
      %add3A_148 = arith.constant 224 : i32
      %add3A_149 = arith.addi %mul3A_147, %add3A_148 : i32
      %swap3A_150 = arith.index_cast %add3A_149 : i32 to index
      %swap3A_151 = tpu.vector_load %arg8[%swap3A_150] {strides = array<i32>} : memref<65536xf32, #tpu.memory_space<vmem>>, vector<16xf32>,
      tpu.vector_store %arg8[%swap3A_150], %broadcast_in_dim3A_7 {strides = array<i32>} : memref<65536xf32, #tpu.memory_space<vmem>>, vector<16xf32>,
      %mul3A_152 = arith.constant 1024 : i32
      %mul3A_153 = arith.muli %scan3A_61, %mul3A_152 : i32
      %add3A_154 = arith.constant 240 : i32
      %add3A_155 = arith.addi %mul3A_153, %add3A_154 : i32
      %swap3A_156 = arith.index_cast %add3A_155 : i32 to index
      %swap3A_157 = tpu.vector_load %arg8[%swap3A_156] {strides = array<i32>} : memref<65536xf32, #tpu.memory_space<vmem>>, vector<16xf32>,
      tpu.vector_store %arg8[%swap3A_156], %broadcast_in_dim3A_7 {strides = array<i32>} : memref<65536xf32, #tpu.memory_space<vmem>>, vector<16xf32>,
      %mul3A_158 = arith.constant 1024 : i32
      %mul3A_159 = arith.muli %scan3A_61, %mul3A_158 : i32
      %add3A_160 = arith.constant 256 : i32
      %add3A_161 = arith.addi %mul3A_159, %add3A_160 : i32
      %swap3A_162 = arith.index_cast %add3A_161 : i32 to index
      %swap3A_163 = tpu.vector_load %arg8[%swap3A_162] {strides = array<i32>} : memref<65536xf32, #tpu.memory_space<vmem>>, vector<16xf32>,
      tpu.vector_store %arg8[%swap3A_162], %broadcast_in_dim3A_7 {strides = array<i32>} : memref<65536xf32, #tpu.memory_space<vmem>>, vector<16xf32>,
      %mul3A_164 = arith.constant 1024 : i32
      %mul3A_165 = arith.muli %scan3A_61, %mul3A_164 : i32
      %add3A_166 = arith.constant 272 : i32
      %add3A_167 = arith.addi %mul3A_165, %add3A_166 : i32
      %swap3A_168 = arith.index_cast %add3A_167 : i32 to index
      %swap3A_169 = tpu.vector_load %arg8[%swap3A_168] {strides = array<i32>} : memref<65536xf32, #tpu.memory_space<vmem>>, vector<16xf32>,
      tpu.vector_store %arg8[%swap3A_168], %broadcast_in_dim3A_7 {strides = array<i32>} : memref<65536xf32, #tpu.memory_space<vmem>>, vector<16xf32>,
      %mul3A_170 = arith.constant 1024 : i32
      %mul3A_171 = arith.muli %scan3A_61, %mul3A_170 : i32
      %add3A_172 = arith.constant 288 : i32
      %add3A_173 = arith.addi %mul3A_171, %add3A_172 : i32
      %swap3A_174 = arith.index_cast %add3A_173 : i32 to index
      %swap3A_175 = tpu.vector_load %arg8[%swap3A_174] {strides = array<i32>} : memref<65536xf32, #tpu.memory_space<vmem>>, vector<16xf32>,
      tpu.vector_store %arg8[%swap3A_174], %broadcast_in_dim3A_7 {strides = array<i32>} : memref<65536xf32, #tpu.memory_space<vmem>>, vector<16xf32>,
      %mul3A_176 = arith.constant 1024 : i32
      %mul3A_177 = arith.muli %scan3A_61, %mul3A_176 : i32
      %add3A_178 = arith.constant 304 : i32
      %add3A_179 = arith.addi %mul3A_177, %add3A_178 : i32
      %swap3A_180 = arith.index_cast %add3A_179 : i32 to index
      %swap3A_181 = tpu.vector_load %arg8[%swap3A_180] {strides = array<i32>} : memref<65536xf32, #tpu.memory_space<vmem>>, vector<16xf32>,
      tpu.vector_store %arg8[%swap3A_180], %broadcast_in_dim3A_7 {strides = array<i32>} : memref<65536xf32, #tpu.memory_space<vmem>>, vector<16xf32>,
      %mul3A_182 = arith.constant 1024 : i32
      %mul3A_183 = arith.muli %scan3A_61, %mul3A_182 : i32
      %add3A_184 = arith.constant 320 : i32
      %add3A_185 = arith.addi %mul3A_183, %add3A_184 : i32
      %swap3A_186 = arith.index_cast %add3A_185 : i32 to index
      %swap3A_187 = tpu.vector_load %arg8[%swap3A_186] {strides = array<i32>} : memref<65536xf32, #tpu.memory_space<vmem>>, vector<16xf32>,
      tpu.vector_store %arg8[%swap3A_186], %broadcast_in_dim3A_7 {strides = array<i32>} : memref<65536xf32, #tpu.memory_space<vmem>>, vector<16xf32>,
      %mul3A_188 = arith.constant 1024 : i32
      %mul3A_189 = arith.muli %scan3A_61, %mul3A_188 : i32
      %add3A_190 = arith.constant 336 : i32
      %add3A_191 = arith.addi %mul3A_189, %add3A_190 : i32
      %swap3A_192 = arith.index_cast %add3A_191 : i32 to index
      %swap3A_193 = tpu.vector_load %arg8[%swap3A_192] {strides = array<i32>} : memref<65536xf32, #tpu.memory_space<vmem>>, vector<16xf32>,
      tpu.vector_store %arg8[%swap3A_192], %broadcast_in_dim3A_7 {strides = array<i32>} : memref<65536xf32, #tpu.memory_space<vmem>>, vector<16xf32>,
      %mul3A_194 = arith.constant 1024 : i32
      %mul3A_195 = arith.muli %scan3A_61, %mul3A_194 : i32
      %add3A_196 = arith.constant 352 : i32
      %add3A_197 = arith.addi %mul3A_195, %add3A_196 : i32
      %swap3A_198 = arith.index_cast %add3A_197 : i32 to index
      %swap3A_199 = tpu.vector_load %arg8[%swap3A_198] {strides = array<i32>} : memref<65536xf32, #tpu.memory_space<vmem>>, vector<16xf32>,
      tpu.vector_store %arg8[%swap3A_198], %broadcast_in_dim3A_7 {strides = array<i32>} : memref<65536xf32, #tpu.memory_space<vmem>>, vector<16xf32>,
      %mul3A_200 = arith.constant 1024 : i32
      %mul3A_201 = arith.muli %scan3A_61, %mul3A_200 : i32
      %add3A_202 = arith.constant 368 : i32
      %add3A_203 = arith.addi %mul3A_201, %add3A_202 : i32
      %swap3A_204 = arith.index_cast %add3A_203 : i32 to index
      %swap3A_205 = tpu.vector_load %arg8[%swap3A_204] {strides = array<i32>} : memref<65536xf32, #tpu.memory_space<vmem>>, vector<16xf32>,
      tpu.vector_store %arg8[%swap3A_204], %broadcast_in_dim3A_7 {strides = array<i32>} : memref<65536xf32, #tpu.memory_space<vmem>>, vector<16xf32>,
      %mul3A_206 = arith.constant 1024 : i32
      %mul3A_207 = arith.muli %scan3A_61, %mul3A_206 : i32
      %add3A_208 = arith.constant 384 : i32
      %add3A_209 = arith.addi %mul3A_207, %add3A_208 : i32
      %swap3A_210 = arith.index_cast %add3A_209 : i32 to index
      %swap3A_211 = tpu.vector_load %arg8[%swap3A_210] {strides = array<i32>} : memref<65536xf32, #tpu.memory_space<vmem>>, vector<16xf32>,
      tpu.vector_store %arg8[%swap3A_210], %broadcast_in_dim3A_7 {strides = array<i32>} : memref<65536xf32, #tpu.memory_space<vmem>>, vector<16xf32>,
      %mul3A_212 = arith.constant 1024 : i32
      %mul3A_213 = arith.muli %scan3A_61, %mul3A_212 : i32
      %add3A_214 = arith.constant 400 : i32
      %add3A_215 = arith.addi %mul3A_213, %add3A_214 : i32
      %swap3A_216 = arith.index_cast %add3A_215 : i32 to index
      %swap3A_217 = tpu.vector_load %arg8[%swap3A_216] {strides = array<i32>} : memref<65536xf32, #tpu.memory_space<vmem>>, vector<16xf32>,
      tpu.vector_store %arg8[%swap3A_216], %broadcast_in_dim3A_7 {strides = array<i32>} : memref<65536xf32, #tpu.memory_space<vmem>>, vector<16xf32>,
      %mul3A_218 = arith.constant 1024 : i32
      %mul3A_219 = arith.muli %scan3A_61, %mul3A_218 : i32
      %add3A_220 = arith.constant 416 : i32
      %add3A_221 = arith.addi %mul3A_219, %add3A_220 : i32
      %swap3A_222 = arith.index_cast %add3A_221 : i32 to index
      %swap3A_223 = tpu.vector_load %arg8[%swap3A_222] {strides = array<i32>} : memref<65536xf32, #tpu.memory_space<vmem>>, vector<16xf32>,
      tpu.vector_store %arg8[%swap3A_222], %broadcast_in_dim3A_7 {strides = array<i32>} : memref<65536xf32, #tpu.memory_space<vmem>>, vector<16xf32>,
      %mul3A_224 = arith.constant 1024 : i32
      %mul3A_225 = arith.muli %scan3A_61, %mul3A_224 : i32
      %add3A_226 = arith.constant 432 : i32
      %add3A_227 = arith.addi %mul3A_225, %add3A_226 : i32
      %swap3A_228 = arith.index_cast %add3A_227 : i32 to index
      %swap3A_229 = tpu.vector_load %arg8[%swap3A_228] {strides = array<i32>} : memref<65536xf32, #tpu.memory_space<vmem>>, vector<16xf32>,
      tpu.vector_store %arg8[%swap3A_228], %broadcast_in_dim3A_7 {strides = array<i32>} : memref<65536xf32, #tpu.memory_space<vmem>>, vector<16xf32>,
      %mul3A_230 = arith.constant 1024 : i32
      %mul3A_231 = arith.muli %scan3A_61, %mul3A_230 : i32
      %add3A_232 = arith.constant 448 : i32
      %add3A_233 = arith.addi %mul3A_231, %add3A_232 : i32
      %swap3A_234 = arith.index_cast %add3A_233 : i32 to index
      %swap3A_235 = tpu.vector_load %arg8[%swap3A_234] {strides = array<i32>} : memref<65536xf32, #tpu.memory_space<vmem>>, vector<16xf32>,
      tpu.vector_store %arg8[%swap3A_234], %broadcast_in_dim3A_7 {strides = array<i32>} : memref<65536xf32, #tpu.memory_space<vmem>>, vector<16xf32>,
      %mul3A_236 = arith.constant 1024 : i32
      %mul3A_237 = arith.muli %scan3A_61, %mul3A_236 : i32
      %add3A_238 = arith.constant 464 : i32
      %add3A_239 = arith.addi %mul3A_237, %add3A_238 : i32
      %swap3A_240 = arith.index_cast %add3A_239 : i32 to index
      %swap3A_241 = tpu.vector_load %arg8[%swap3A_240] {strides = array<i32>} : memref<65536xf32, #tpu.memory_space<vmem>>, vector<16xf32>,
      tpu.vector_store %arg8[%swap3A_240], %broadcast_in_dim3A_7 {strides = array<i32>} : memref<65536xf32, #tpu.memory_space<vmem>>, vector<16xf32>,
      %mul3A_242 = arith.constant 1024 : i32
      %mul3A_243 = arith.muli %scan3A_61, %mul3A_242 : i32
      %add3A_244 = arith.constant 480 : i32
      %add3A_245 = arith.addi %mul3A_243, %add3A_244 : i32
      %swap3A_246 = arith.index_cast %add3A_245 : i32 to index
      %swap3A_247 = tpu.vector_load %arg8[%swap3A_246] {strides = array<i32>} : memref<65536xf32, #tpu.memory_space<vmem>>, vector<16xf32>,
      tpu.vector_store %arg8[%swap3A_246], %broadcast_in_dim3A_7 {strides = array<i32>} : memref<65536xf32, #tpu.memory_space<vmem>>, vector<16xf32>,
      %mul3A_248 = arith.constant 1024 : i32
      %mul3A_249 = arith.muli %scan3A_61, %mul3A_248 : i32
      %add3A_250 = arith.constant 496 : i32
      %add3A_251 = arith.addi %mul3A_249, %add3A_250 : i32
      %swap3A_252 = arith.index_cast %add3A_251 : i32 to index
      %swap3A_253 = tpu.vector_load %arg8[%swap3A_252] {strides = array<i32>} : memref<65536xf32, #tpu.memory_space<vmem>>, vector<16xf32>,
      tpu.vector_store %arg8[%swap3A_252], %broadcast_in_dim3A_7 {strides = array<i32>} : memref<65536xf32, #tpu.memory_space<vmem>>, vector<16xf32>,
      %mul3A_254 = arith.constant 1024 : i32
      %mul3A_255 = arith.muli %scan3A_61, %mul3A_254 : i32
      %add3A_256 = arith.constant 512 : i32
      %add3A_257 = arith.addi %mul3A_255, %add3A_256 : i32
      %swap3A_258 = arith.index_cast %add3A_257 : i32 to index
      %swap3A_259 = tpu.vector_load %arg8[%swap3A_258] {strides = array<i32>} : memref<65536xf32, #tpu.memory_space<vmem>>, vector<16xf32>,
      tpu.vector_store %arg8[%swap3A_258], %broadcast_in_dim3A_7 {strides = array<i32>} : memref<65536xf32, #tpu.memory_space<vmem>>, vector<16xf32>,
      %mul3A_260 = arith.constant 1024 : i32
      %mul3A_261 = arith.muli %scan3A_61, %mul3A_260 : i32
      %add3A_262 = arith.constant 528 : i32
      %add3A_263 = arith.addi %mul3A_261, %add3A_262 : i32
      %swap3A_264 = arith.index_cast %add3A_263 : i32 to index
      %swap3A_265 = tpu.vector_load %arg8[%swap3A_264] {strides = array<i32>} : memref<65536xf32, #tpu.memory_space<vmem>>, vector<16xf32>,
      tpu.vector_store %arg8[%swap3A_264], %broadcast_in_dim3A_7 {strides = array<i32>} : memref<65536xf32, #tpu.memory_space<vmem>>, vector<16xf32>,
      %mul3A_266 = arith.constant 1024 : i32
      %mul3A_267 = arith.muli %scan3A_61, %mul3A_266 : i32
      %add3A_268 = arith.constant 544 : i32
      %add3A_269 = arith.addi %mul3A_267, %add3A_268 : i32
      %swap3A_270 = arith.index_cast %add3A_269 : i32 to index
      %swap3A_271 = tpu.vector_load %arg8[%swap3A_270] {strides = array<i32>} : memref<65536xf32, #tpu.memory_space<vmem>>, vector<16xf32>,
      tpu.vector_store %arg8[%swap3A_270], %broadcast_in_dim3A_7 {strides = array<i32>} : memref<65536xf32, #tpu.memory_space<vmem>>, vector<16xf32>,
      %mul3A_272 = arith.constant 1024 : i32
      %mul3A_273 = arith.muli %scan3A_61, %mul3A_272 : i32
      %add3A_274 = arith.constant 560 : i32
      %add3A_275 = arith.addi %mul3A_273, %add3A_274 : i32
      %swap3A_276 = arith.index_cast %add3A_275 : i32 to index
      %swap3A_277 = tpu.vector_load %arg8[%swap3A_276] {strides = array<i32>} : memref<65536xf32, #tpu.memory_space<vmem>>, vector<16xf32>,
      tpu.vector_store %arg8[%swap3A_276], %broadcast_in_dim3A_7 {strides = array<i32>} : memref<65536xf32, #tpu.memory_space<vmem>>, vector<16xf32>,
      %mul3A_278 = arith.constant 1024 : i32
      %mul3A_279 = arith.muli %scan3A_61, %mul3A_278 : i32
      %add3A_280 = arith.constant 576 : i32
      %add3A_281 = arith.addi %mul3A_279, %add3A_280 : i32
      %swap3A_282 = arith.index_cast %add3A_281 : i32 to index
      %swap3A_283 = tpu.vector_load %arg8[%swap3A_282] {strides = array<i32>} : memref<65536xf32, #tpu.memory_space<vmem>>, vector<16xf32>,
      tpu.vector_store %arg8[%swap3A_282], %broadcast_in_dim3A_7 {strides = array<i32>} : memref<65536xf32, #tpu.memory_space<vmem>>, vector<16xf32>,
      %mul3A_284 = arith.constant 1024 : i32
      %mul3A_285 = arith.muli %scan3A_61, %mul3A_284 : i32
      %add3A_286 = arith.constant 592 : i32
      %add3A_287 = arith.addi %mul3A_285, %add3A_286 : i32
      %swap3A_288 = arith.index_cast %add3A_287 : i32 to index
      %swap3A_289 = tpu.vector_load %arg8[%swap3A_288] {strides = array<i32>} : memref<65536xf32, #tpu.memory_space<vmem>>, vector<16xf32>,
      tpu.vector_store %arg8[%swap3A_288], %broadcast_in_dim3A_7 {strides = array<i32>} : memref<65536xf32, #tpu.memory_space<vmem>>, vector<16xf32>,
      %mul3A_290 = arith.constant 1024 : i32
      %mul3A_291 = arith.muli %scan3A_61, %mul3A_290 : i32
      %add3A_292 = arith.constant 608 : i32
      %add3A_293 = arith.addi %mul3A_291, %add3A_292 : i32
      %swap3A_294 = arith.index_cast %add3A_293 : i32 to index
      %swap3A_295 = tpu.vector_load %arg8[%swap3A_294] {strides = array<i32>} : memref<65536xf32, #tpu.memory_space<vmem>>, vector<16xf32>,
      tpu.vector_store %arg8[%swap3A_294], %broadcast_in_dim3A_7 {strides = array<i32>} : memref<65536xf32, #tpu.memory_space<vmem>>, vector<16xf32>,
      %mul3A_296 = arith.constant 1024 : i32
      %mul3A_297 = arith.muli %scan3A_61, %mul3A_296 : i32
      %add3A_298 = arith.constant 624 : i32
      %add3A_299 = arith.addi %mul3A_297, %add3A_298 : i32
      %swap3A_300 = arith.index_cast %add3A_299 : i32 to index
      %swap3A_301 = tpu.vector_load %arg8[%swap3A_300] {strides = array<i32>} : memref<65536xf32, #tpu.memory_space<vmem>>, vector<16xf32>,
      tpu.vector_store %arg8[%swap3A_300], %broadcast_in_dim3A_7 {strides = array<i32>} : memref<65536xf32, #tpu.memory_space<vmem>>, vector<16xf32>,
      %mul3A_302 = arith.constant 1024 : i32
      %mul3A_303 = arith.muli %scan3A_61, %mul3A_302 : i32
      %add3A_304 = arith.constant 640 : i32
      %add3A_305 = arith.addi %mul3A_303, %add3A_304 : i32
      %swap3A_306 = arith.index_cast %add3A_305 : i32 to index
      %swap3A_307 = tpu.vector_load %arg8[%swap3A_306] {strides = array<i32>} : memref<65536xf32, #tpu.memory_space<vmem>>, vector<16xf32>,
      tpu.vector_store %arg8[%swap3A_306], %broadcast_in_dim3A_7 {strides = array<i32>} : memref<65536xf32, #tpu.memory_space<vmem>>, vector<16xf32>,
      %mul3A_308 = arith.constant 1024 : i32
      %mul3A_309 = arith.muli %scan3A_61, %mul3A_308 : i32
      %add3A_310 = arith.constant 656 : i32
      %add3A_311 = arith.addi %mul3A_309, %add3A_310 : i32
      %swap3A_312 = arith.index_cast %add3A_311 : i32 to index
      %swap3A_313 = tpu.vector_load %arg8[%swap3A_312] {strides = array<i32>} : memref<65536xf32, #tpu.memory_space<vmem>>, vector<16xf32>,
      tpu.vector_store %arg8[%swap3A_312], %broadcast_in_dim3A_7 {strides = array<i32>} : memref<65536xf32, #tpu.memory_space<vmem>>, vector<16xf32>,
      %mul3A_314 = arith.constant 1024 : i32
      %mul3A_315 = arith.muli %scan3A_61, %mul3A_314 : i32
      %add3A_316 = arith.constant 672 : i32
      %add3A_317 = arith.addi %mul3A_315, %add3A_316 : i32
      %swap3A_318 = arith.index_cast %add3A_317 : i32 to index
      %swap3A_319 = tpu.vector_load %arg8[%swap3A_318] {strides = array<i32>} : memref<65536xf32, #tpu.memory_space<vmem>>, vector<16xf32>,
      tpu.vector_store %arg8[%swap3A_318], %broadcast_in_dim3A_7 {strides = array<i32>} : memref<65536xf32, #tpu.memory_space<vmem>>, vector<16xf32>,
      %mul3A_320 = arith.constant 1024 : i32
      %mul3A_321 = arith.muli %scan3A_61, %mul3A_320 : i32
      %add3A_322 = arith.constant 688 : i32
      %add3A_323 = arith.addi %mul3A_321, %add3A_322 : i32
      %swap3A_324 = arith.index_cast %add3A_323 : i32 to index
      %swap3A_325 = tpu.vector_load %arg8[%swap3A_324] {strides = array<i32>} : memref<65536xf32, #tpu.memory_space<vmem>>, vector<16xf32>,
      tpu.vector_store %arg8[%swap3A_324], %broadcast_in_dim3A_7 {strides = array<i32>} : memref<65536xf32, #tpu.memory_space<vmem>>, vector<16xf32>,
      %mul3A_326 = arith.constant 1024 : i32
      %mul3A_327 = arith.muli %scan3A_61, %mul3A_326 : i32
      %add3A_328 = arith.constant 704 : i32
      %add3A_329 = arith.addi %mul3A_327, %add3A_328 : i32
      %swap3A_330 = arith.index_cast %add3A_329 : i32 to index
      %swap3A_331 = tpu.vector_load %arg8[%swap3A_330] {strides = array<i32>} : memref<65536xf32, #tpu.memory_space<vmem>>, vector<16xf32>,
      tpu.vector_store %arg8[%swap3A_330], %broadcast_in_dim3A_7 {strides = array<i32>} : memref<65536xf32, #tpu.memory_space<vmem>>, vector<16xf32>,
      %mul3A_332 = arith.constant 1024 : i32
      %mul3A_333 = arith.muli %scan3A_61, %mul3A_332 : i32
      %add3A_334 = arith.constant 720 : i32
      %add3A_335 = arith.addi %mul3A_333, %add3A_334 : i32
      %swap3A_336 = arith.index_cast %add3A_335 : i32 to index
      %swap3A_337 = tpu.vector_load %arg8[%swap3A_336] {strides = array<i32>} : memref<65536xf32, #tpu.memory_space<vmem>>, vector<16xf32>,
      tpu.vector_store %arg8[%swap3A_336], %broadcast_in_dim3A_7 {strides = array<i32>} : memref<65536xf32, #tpu.memory_space<vmem>>, vector<16xf32>,
      %mul3A_338 = arith.constant 1024 : i32
      %mul3A_339 = arith.muli %scan3A_61, %mul3A_338 : i32
      %add3A_340 = arith.constant 736 : i32
      %add3A_341 = arith.addi %mul3A_339, %add3A_340 : i32
      %swap3A_342 = arith.index_cast %add3A_341 : i32 to index
      %swap3A_343 = tpu.vector_load %arg8[%swap3A_342] {strides = array<i32>} : memref<65536xf32, #tpu.memory_space<vmem>>, vector<16xf32>,
      tpu.vector_store %arg8[%swap3A_342], %broadcast_in_dim3A_7 {strides = array<i32>} : memref<65536xf32, #tpu.memory_space<vmem>>, vector<16xf32>,
      %mul3A_344 = arith.constant 1024 : i32
      %mul3A_345 = arith.muli %scan3A_61, %mul3A_344 : i32
      %add3A_346 = arith.constant 752 : i32
      %add3A_347 = arith.addi %mul3A_345, %add3A_346 : i32
      %swap3A_348 = arith.index_cast %add3A_347 : i32 to index
      %swap3A_349 = tpu.vector_load %arg8[%swap3A_348] {strides = array<i32>} : memref<65536xf32, #tpu.memory_space<vmem>>, vector<16xf32>,
      tpu.vector_store %arg8[%swap3A_348], %broadcast_in_dim3A_7 {strides = array<i32>} : memref<65536xf32, #tpu.memory_space<vmem>>, vector<16xf32>,
      %mul3A_350 = arith.constant 1024 : i32
      %mul3A_351 = arith.muli %scan3A_61, %mul3A_350 : i32
      %add3A_352 = arith.constant 768 : i32
      %add3A_353 = arith.addi %mul3A_351, %add3A_352 : i32
      %swap3A_354 = arith.index_cast %add3A_353 : i32 to index
      %swap3A_355 = tpu.vector_load %arg8[%swap3A_354] {strides = array<i32>} : memref<65536xf32, #tpu.memory_space<vmem>>, vector<16xf32>,
      tpu.vector_store %arg8[%swap3A_354], %broadcast_in_dim3A_7 {strides = array<i32>} : memref<65536xf32, #tpu.memory_space<vmem>>, vector<16xf32>,
      %mul3A_356 = arith.constant 1024 : i32
      %mul3A_357 = arith.muli %scan3A_61, %mul3A_356 : i32
      %add3A_358 = arith.constant 784 : i32
      %add3A_359 = arith.addi %mul3A_357, %add3A_358 : i32
      %swap3A_360 = arith.index_cast %add3A_359 : i32 to index
      %swap3A_361 = tpu.vector_load %arg8[%swap3A_360] {strides = array<i32>} : memref<65536xf32, #tpu.memory_space<vmem>>, vector<16xf32>,
      tpu.vector_store %arg8[%swap3A_360], %broadcast_in_dim3A_7 {strides = array<i32>} : memref<65536xf32, #tpu.memory_space<vmem>>, vector<16xf32>,
      %mul3A_362 = arith.constant 1024 : i32
      %mul3A_363 = arith.muli %scan3A_61, %mul3A_362 : i32
      %add3A_364 = arith.constant 800 : i32
      %add3A_365 = arith.addi %mul3A_363, %add3A_364 : i32
      %swap3A_366 = arith.index_cast %add3A_365 : i32 to index
      %swap3A_367 = tpu.vector_load %arg8[%swap3A_366] {strides = array<i32>} : memref<65536xf32, #tpu.memory_space<vmem>>, vector<16xf32>,
      tpu.vector_store %arg8[%swap3A_366], %broadcast_in_dim3A_7 {strides = array<i32>} : memref<65536xf32, #tpu.memory_space<vmem>>, vector<16xf32>,
      %mul3A_368 = arith.constant 1024 : i32
      %mul3A_369 = arith.muli %scan3A_61, %mul3A_368 : i32
      %add3A_370 = arith.constant 816 : i32
      %add3A_371 = arith.addi %mul3A_369, %add3A_370 : i32
      %swap3A_372 = arith.index_cast %add3A_371 : i32 to index
      %swap3A_373 = tpu.vector_load %arg8[%swap3A_372] {strides = array<i32>} : memref<65536xf32, #tpu.memory_space<vmem>>, vector<16xf32>,
      tpu.vector_store %arg8[%swap3A_372], %broadcast_in_dim3A_7 {strides = array<i32>} : memref<65536xf32, #tpu.memory_space<vmem>>, vector<16xf32>,
      %mul3A_374 = arith.constant 1024 : i32
      %mul3A_375 = arith.muli %scan3A_61, %mul3A_374 : i32
      %add3A_376 = arith.constant 832 : i32
      %add3A_377 = arith.addi %mul3A_375, %add3A_376 : i32
      %swap3A_378 = arith.index_cast %add3A_377 : i32 to index
      %swap3A_379 = tpu.vector_load %arg8[%swap3A_378] {strides = array<i32>} : memref<65536xf32, #tpu.memory_space<vmem>>, vector<16xf32>,
      tpu.vector_store %arg8[%swap3A_378], %broadcast_in_dim3A_7 {strides = array<i32>} : memref<65536xf32, #tpu.memory_space<vmem>>, vector<16xf32>,
      %mul3A_380 = arith.constant 1024 : i32
      %mul3A_381 = arith.muli %scan3A_61, %mul3A_380 : i32
      %add3A_382 = arith.constant 848 : i32
      %add3A_383 = arith.addi %mul3A_381, %add3A_382 : i32
      %swap3A_384 = arith.index_cast %add3A_383 : i32 to index
      %swap3A_385 = tpu.vector_load %arg8[%swap3A_384] {strides = array<i32>} : memref<65536xf32, #tpu.memory_space<vmem>>, vector<16xf32>,
      tpu.vector_store %arg8[%swap3A_384], %broadcast_in_dim3A_7 {strides = array<i32>} : memref<65536xf32, #tpu.memory_space<vmem>>, vector<16xf32>,
      %mul3A_386 = arith.constant 1024 : i32
      %mul3A_387 = arith.muli %scan3A_61, %mul3A_386 : i32
      %add3A_388 = arith.constant 864 : i32
      %add3A_389 = arith.addi %mul3A_387, %add3A_388 : i32
      %swap3A_390 = arith.index_cast %add3A_389 : i32 to index
      %swap3A_391 = tpu.vector_load %arg8[%swap3A_390] {strides = array<i32>} : memref<65536xf32, #tpu.memory_space<vmem>>, vector<16xf32>,
      tpu.vector_store %arg8[%swap3A_390], %broadcast_in_dim3A_7 {strides = array<i32>} : memref<65536xf32, #tpu.memory_space<vmem>>, vector<16xf32>,
      %mul3A_392 = arith.constant 1024 : i32
      %mul3A_393 = arith.muli %scan3A_61, %mul3A_392 : i32
      %add3A_394 = arith.constant 880 : i32
      %add3A_395 = arith.addi %mul3A_393, %add3A_394 : i32
      %swap3A_396 = arith.index_cast %add3A_395 : i32 to index
      %swap3A_397 = tpu.vector_load %arg8[%swap3A_396] {strides = array<i32>} : memref<65536xf32, #tpu.memory_space<vmem>>, vector<16xf32>,
      tpu.vector_store %arg8[%swap3A_396], %broadcast_in_dim3A_7 {strides = array<i32>} : memref<65536xf32, #tpu.memory_space<vmem>>, vector<16xf32>,
      %mul3A_398 = arith.constant 1024 : i32
      %mul3A_399 = arith.muli %scan3A_61, %mul3A_398 : i32
      %add3A_400 = arith.constant 896 : i32
      %add3A_401 = arith.addi %mul3A_399, %add3A_400 : i32
      %swap3A_402 = arith.index_cast %add3A_401 : i32 to index
      %swap3A_403 = tpu.vector_load %arg8[%swap3A_402] {strides = array<i32>} : memref<65536xf32, #tpu.memory_space<vmem>>, vector<16xf32>,
      tpu.vector_store %arg8[%swap3A_402], %broadcast_in_dim3A_7 {strides = array<i32>} : memref<65536xf32, #tpu.memory_space<vmem>>, vector<16xf32>,
      %mul3A_404 = arith.constant 1024 : i32
      %mul3A_405 = arith.muli %scan3A_61, %mul3A_404 : i32
      %add3A_406 = arith.constant 912 : i32
      %add3A_407 = arith.addi %mul3A_405, %add3A_406 : i32
      %swap3A_408 = arith.index_cast %add3A_407 : i32 to index
      %swap3A_409 = tpu.vector_load %arg8[%swap3A_408] {strides = array<i32>} : memref<65536xf32, #tpu.memory_space<vmem>>, vector<16xf32>,
      tpu.vector_store %arg8[%swap3A_408], %broadcast_in_dim3A_7 {strides = array<i32>} : memref<65536xf32, #tpu.memory_space<vmem>>, vector<16xf32>,
      %mul3A_410 = arith.constant 1024 : i32
      %mul3A_411 = arith.muli %scan3A_61, %mul3A_410 : i32
      %add3A_412 = arith.constant 928 : i32
      %add3A_413 = arith.addi %mul3A_411, %add3A_412 : i32
      %swap3A_414 = arith.index_cast %add3A_413 : i32 to index
      %swap3A_415 = tpu.vector_load %arg8[%swap3A_414] {strides = array<i32>} : memref<65536xf32, #tpu.memory_space<vmem>>, vector<16xf32>,
      tpu.vector_store %arg8[%swap3A_414], %broadcast_in_dim3A_7 {strides = array<i32>} : memref<65536xf32, #tpu.memory_space<vmem>>, vector<16xf32>,
      %mul3A_416 = arith.constant 1024 : i32
      %mul3A_417 = arith.muli %scan3A_61, %mul3A_416 : i32
      %add3A_418 = arith.constant 944 : i32
      %add3A_419 = arith.addi %mul3A_417, %add3A_418 : i32
      %swap3A_420 = arith.index_cast %add3A_419 : i32 to index
      %swap3A_421 = tpu.vector_load %arg8[%swap3A_420] {strides = array<i32>} : memref<65536xf32, #tpu.memory_space<vmem>>, vector<16xf32>,
      tpu.vector_store %arg8[%swap3A_420], %broadcast_in_dim3A_7 {strides = array<i32>} : memref<65536xf32, #tpu.memory_space<vmem>>, vector<16xf32>,
      %mul3A_422 = arith.constant 1024 : i32
      %mul3A_423 = arith.muli %scan3A_61, %mul3A_422 : i32
      %add3A_424 = arith.constant 960 : i32
      %add3A_425 = arith.addi %mul3A_423, %add3A_424 : i32
      %swap3A_426 = arith.index_cast %add3A_425 : i32 to index
      %swap3A_427 = tpu.vector_load %arg8[%swap3A_426] {strides = array<i32>} : memref<65536xf32, #tpu.memory_space<vmem>>, vector<16xf32>,
      tpu.vector_store %arg8[%swap3A_426], %broadcast_in_dim3A_7 {strides = array<i32>} : memref<65536xf32, #tpu.memory_space<vmem>>, vector<16xf32>,
      %mul3A_428 = arith.constant 1024 : i32
      %mul3A_429 = arith.muli %scan3A_61, %mul3A_428 : i32
      %add3A_430 = arith.constant 976 : i32
      %add3A_431 = arith.addi %mul3A_429, %add3A_430 : i32
      %swap3A_432 = arith.index_cast %add3A_431 : i32 to index
      %swap3A_433 = tpu.vector_load %arg8[%swap3A_432] {strides = array<i32>} : memref<65536xf32, #tpu.memory_space<vmem>>, vector<16xf32>,
      tpu.vector_store %arg8[%swap3A_432], %broadcast_in_dim3A_7 {strides = array<i32>} : memref<65536xf32, #tpu.memory_space<vmem>>, vector<16xf32>,
      %mul3A_434 = arith.constant 1024 : i32
      %mul3A_435 = arith.muli %scan3A_61, %mul3A_434 : i32
      %add3A_436 = arith.constant 992 : i32
      %add3A_437 = arith.addi %mul3A_435, %add3A_436 : i32
      %swap3A_438 = arith.index_cast %add3A_437 : i32 to index
      %swap3A_439 = tpu.vector_load %arg8[%swap3A_438] {strides = array<i32>} : memref<65536xf32, #tpu.memory_space<vmem>>, vector<16xf32>,
      tpu.vector_store %arg8[%swap3A_438], %broadcast_in_dim3A_7 {strides = array<i32>} : memref<65536xf32, #tpu.memory_space<vmem>>, vector<16xf32>,
      %mul3A_440 = arith.constant 1024 : i32
      %mul3A_441 = arith.muli %scan3A_61, %mul3A_440 : i32
      %add3A_442 = arith.constant 1008 : i32
      %add3A_443 = arith.addi %mul3A_441, %add3A_442 : i32
      %swap3A_444 = arith.index_cast %add3A_443 : i32 to index
      %swap3A_445 = tpu.vector_load %arg8[%swap3A_444] {strides = array<i32>} : memref<65536xf32, #tpu.memory_space<vmem>>, vector<16xf32>,
      tpu.vector_store %arg8[%swap3A_444], %broadcast_in_dim3A_7 {strides = array<i32>} : memref<65536xf32, #tpu.memory_space<vmem>>, vector<16xf32>,
      %scan3A_446 = arith.constant 0 : i32
      scf.yield %scan3A_446 : i32
    }
    %scan3A_42 = arith.constant 64 : i32
    %scan3A_43 = arith.constant 0 : i32
    %scan3A_44 = arith.constant 0 : i32
    %scan3A_45 = arith.constant 50 : i32
    %scan3A_46 = arith.addi %scan3A_44, %scan3A_45 : i32
    %scan3A_47 = arith.constant 1 : i32
    %scan3A_48 = scf.for %scan3A_61 = %scan3A_44 to %scan3A_46 step %scan3A_47 iter_args(%scan3A_62 = %scan3A_43) -> (i32)  : i32 {
      %add3A_63 = arith.constant 3200 : i32
      %add3A_64 = arith.addi %add3A_63, %scan3A_61 : i32
      %add3A_65 = vector.broadcast %add3A_64 : i32 to vector<16xi32>
      %add3A_66 = arith.addi %mul3A_12, %add3A_65 : vector<16xi32>
      %gather3A = tpu.vector_load_idx %arg7[%add3A_66] : memref<6400xi32, #tpu.memory_space<vmem>>[vector<16xi32>], vector<16xi32>,
      %add3A_67 = arith.constant 0 : i32
      %add3A_68 = vector.broadcast %add3A_67 : i32 to vector<16xi32>
      %add3A_69 = arith.addi %gather3A, %add3A_68 : vector<16xi32>
      %add3A_70 = arith.addi %mul3A_15, %add3A_69 : vector<16xi32>
      tpu.vector_store_idx %arg8[%add3A_70], %broadcast_in_dim3A_9 {add = true} : memref<65536xf32, #tpu.memory_space<vmem>>[vector<16xi32>], vector<16xf32>,
      %add3A_71 = arith.constant 4000 : i32
      %add3A_72 = arith.addi %add3A_71, %scan3A_61 : i32
      %add3A_73 = vector.broadcast %add3A_72 : i32 to vector<16xi32>
      %add3A_74 = arith.addi %mul3A_12, %add3A_73 : vector<16xi32>
      %gather3A_75 = tpu.vector_load_idx %arg7[%add3A_74] : memref<6400xi32, #tpu.memory_space<vmem>>[vector<16xi32>], vector<16xi32>,
      %add3A_76 = arith.constant 16384 : i32
      %add3A_77 = vector.broadcast %add3A_76 : i32 to vector<16xi32>
      %add3A_78 = arith.addi %gather3A_75, %add3A_77 : vector<16xi32>
      %add3A_79 = arith.addi %mul3A_15, %add3A_78 : vector<16xi32>
      tpu.vector_store_idx %arg8[%add3A_79], %broadcast_in_dim3A_9 {add = true} : memref<65536xf32, #tpu.memory_space<vmem>>[vector<16xi32>], vector<16xf32>,
      %add3A_80 = arith.constant 4800 : i32
      %add3A_81 = arith.addi %add3A_80, %scan3A_61 : i32
      %add3A_82 = vector.broadcast %add3A_81 : i32 to vector<16xi32>
      %add3A_83 = arith.addi %mul3A_12, %add3A_82 : vector<16xi32>
      %gather3A_84 = tpu.vector_load_idx %arg7[%add3A_83] : memref<6400xi32, #tpu.memory_space<vmem>>[vector<16xi32>], vector<16xi32>,
      %add3A_85 = arith.constant 32768 : i32
      %add3A_86 = vector.broadcast %add3A_85 : i32 to vector<16xi32>
      %add3A_87 = arith.addi %gather3A_84, %add3A_86 : vector<16xi32>
      %add3A_88 = arith.addi %mul3A_15, %add3A_87 : vector<16xi32>
      tpu.vector_store_idx %arg8[%add3A_88], %broadcast_in_dim3A_9 {add = true} : memref<65536xf32, #tpu.memory_space<vmem>>[vector<16xi32>], vector<16xf32>,
      %add3A_89 = arith.constant 5600 : i32
      %add3A_90 = arith.addi %add3A_89, %scan3A_61 : i32
      %add3A_91 = vector.broadcast %add3A_90 : i32 to vector<16xi32>
      %add3A_92 = arith.addi %mul3A_12, %add3A_91 : vector<16xi32>
      %gather3A_93 = tpu.vector_load_idx %arg7[%add3A_92] : memref<6400xi32, #tpu.memory_space<vmem>>[vector<16xi32>], vector<16xi32>,
      %add3A_94 = arith.constant 49152 : i32
      %add3A_95 = vector.broadcast %add3A_94 : i32 to vector<16xi32>
      %add3A_96 = arith.addi %gather3A_93, %add3A_95 : vector<16xi32>
      %add3A_97 = arith.addi %mul3A_15, %add3A_96 : vector<16xi32>
      tpu.vector_store_idx %arg8[%add3A_97], %broadcast_in_dim3A_9 {add = true} : memref<65536xf32, #tpu.memory_space<vmem>>[vector<16xi32>], vector<16xf32>,
      %scan3A_98 = arith.constant 0 : i32
      scf.yield %scan3A_98 : i32
    }
    %scan3A_49 = arith.constant 50 : i32
    %add3A_50 = arith.constant 64 : i32
    %add3A_51 = arith.addi %mul3A_2, %add3A_50 : i32
    %mul3A_52 = arith.constant 1024 : i32
    %mul3A_53 = arith.muli %add3A_51, %mul3A_52 : i32
    %dma_start3A_54 = tpu.memref_slice %arg5[%mul3A_53] : memref<4194304xf32, #tpu.memory_space<hbm>> -> memref<65536xf32, #tpu.memory_space<hbm>>
    %dma_start3A_55 = tpu.memref_slice %arg5[%mul3A_53] : memref<4194304xf32, #tpu.memory_space<hbm>> -> memref<65536xf32, #tpu.memory_space<hbm>>
    tpu.enqueue_dma source(%arg8 : memref<65536xf32, #tpu.memory_space<vmem>>) target(%dma_start3A_55 : memref<65536xf32, #tpu.memory_space<hbm>>) target_semaphore(%arg11 : memref<!tpu.dma_semaphore, #tpu.memory_space<semaphore_mem>>)
    %dma_wait3A_56 = tpu.memref_slice %arg5[%mul3A_53] : memref<4194304xf32, #tpu.memory_space<hbm>> -> memref<65536xf32, #tpu.memory_space<hbm>>
    %dma_wait3A_57 = tpu.memref_slice %arg5[%mul3A_53] : memref<4194304xf32, #tpu.memory_space<hbm>> -> memref<65536xf32, #tpu.memory_space<hbm>>
    tpu.wait_dma2 semaphore(%arg11 : memref<!tpu.dma_semaphore, #tpu.memory_space<semaphore_mem>>) src(%arg8 : memref<65536xf32, #tpu.memory_space<vmem>>) dst(%dma_wait3A_57 : memref<65536xf32, #tpu.memory_space<hbm>>)
    %dma_wait3A_58 = arith.constant 0 : i32
    %dma_wait3A_59 = arith.constant 0 : i32
    %dma_wait3A_60 = tpu.memref_slice %arg4[%dma_wait3A_58, %dma_wait3A_59] : memref<1024x256xf32, #tpu.memory_space<hbm>> -> memref<1024x256xf32, #tpu.memory_space<hbm>>
    tpu.wait_indirect_dma semaphore(%arg12 : memref<!tpu.dma_semaphore, #tpu.memory_space<semaphore_mem>>) src(%dma_wait3A_60 : memref<1024x256xf32, #tpu.memory_space<hbm>>) dst(%arg10 : memref<128x256xf32, #tpu.memory_space<vmem>>)
    "tpu.region"() ({
      %run_scoped3A = tpu.sem_alloc : memref<!tpu.dma_semaphore, #tpu.memory_space<semaphore_mem>>
      %dma_start3A_61 = arith.constant 0 : i32
      %dma_start3A_62 = tpu.memref_slice %arg6[%mul3A_2, %dma_start3A_61] : memref<4096x256xf32, #tpu.memory_space<hbm>> -> memref<128x256xf32, #tpu.memory_space<hbm>>
      %dma_start3A_63 = arith.constant 0 : i32
      %dma_start3A_64 = tpu.memref_slice %arg6[%mul3A_2, %dma_start3A_63] : memref<4096x256xf32, #tpu.memory_space<hbm>> -> memref<128x256xf32, #tpu.memory_space<hbm>>
      tpu.enqueue_dma source(%arg10 : memref<128x256xf32, #tpu.memory_space<vmem>>) target(%dma_start3A_64 : memref<128x256xf32, #tpu.memory_space<hbm>>) target_semaphore(%run_scoped3A : memref<!tpu.dma_semaphore, #tpu.memory_space<semaphore_mem>>)
      %dma_wait3A_65 = arith.constant 0 : i32
      %dma_wait3A_66 = tpu.memref_slice %arg6[%mul3A_2, %dma_wait3A_65] : memref<4096x256xf32, #tpu.memory_space<hbm>> -> memref<128x256xf32, #tpu.memory_space<hbm>>
      %dma_wait3A_67 = arith.constant 0 : i32
      %dma_wait3A_68 = tpu.memref_slice %arg6[%mul3A_2, %dma_wait3A_67] : memref<4096x256xf32, #tpu.memory_space<hbm>> -> memref<128x256xf32, #tpu.memory_space<hbm>>
      tpu.wait_dma2 semaphore(%run_scoped3A : memref<!tpu.dma_semaphore, #tpu.memory_space<semaphore_mem>>) src(%arg10 : memref<128x256xf32, #tpu.memory_space<vmem>>) dst(%dma_wait3A_68 : memref<128x256xf32, #tpu.memory_space<hbm>>)
      tpu.yield
    }) : () -> ()
    return
  }
}

module attributes {stable_mosaic.version = 14 : i64} {
  func.func @_combine_body(%arg0: memref<1024x64xf32, #tpu.memory_space<vmem>>, %arg1: memref<64x64xf32, #tpu.memory_space<vmem>>, %arg2: memref<1024x1xi32, #tpu.memory_space<vmem>>, %arg3: memref<1024x16xf32, #tpu.memory_space<vmem>>, %arg4: memref<262144xf32, #tpu.memory_space<vmem>>, %arg5: memref<1024x128xbf16, #tpu.memory_space<vmem>>, %arg6: memref<1024x128xbf16, #tpu.memory_space<vmem>>) attributes {dimension_semantics = [], scalar_prefetch = 0 : i64, scratch_operands = 0 : i64, tpu.core_type = #tpu.core_type<tc>} {
    %get3A = arith.constant 0 : index
    %get3A_0 = arith.constant 0 : index
    %get3A_1 = vector.load %arg2[%get3A, %get3A_0] : memref<1024x1xi32, #tpu.memory_space<vmem>>, vector<1024x1xi32>
    %iota3A = tpu.iota {dimensions = array<i32: 1>} : vector<1024x64xi32>
    %eq3A = vector.broadcast %get3A_1 : vector<1024x1xi32> to vector<1024x64xi32>
    %eq3A_2 = arith.cmpi eq, %eq3A, %iota3A : vector<1024x64xi32>
    %convert_element_type3A = arith.extui %eq3A_2 : vector<1024x64xi1> to vector<1024x64xi32>
    %convert_element_type3A_3 = arith.sitofp %convert_element_type3A : vector<1024x64xi32> to vector<1024x64xf32>
    %get3A_4 = arith.constant 0 : index
    %get3A_5 = arith.constant 0 : index
    %get3A_6 = vector.load %arg1[%get3A_4, %get3A_5] : memref<64x64xf32, #tpu.memory_space<vmem>>, vector<64x64xf32>
    %dot_general3A = arith.constant dense<0.000000e+00> : vector<1024x64xf32>
    %dot_general3A_7 = tpu.matmul %convert_element_type3A_3, %get3A_6, %dot_general3A {dimension_numbers = #tpu.dot_dimension_numbers<[1], [0], [0], [1], [0, 0, 1, 1], [], []>, precision = #tpu.contract_precision<fp32>, transpose_lhs_hint = false} : vector<1024x64xf32>, vector<64x64xf32>, vector<1024x64xf32> -> vector<1024x64xf32>
    %get3A_8 = arith.constant 0 : index
    %get3A_9 = arith.constant 0 : index
    %get3A_10 = vector.load %arg0[%get3A_8, %get3A_9] : memref<1024x64xf32, #tpu.memory_space<vmem>>, vector<1024x64xf32>
    %get3A_11 = arith.constant 0 : index
    %get3A_12 = arith.constant 0 : index
    %get3A_13 = vector.load %arg3[%get3A_11, %get3A_12] : memref<1024x16xf32, #tpu.memory_space<vmem>>, vector<1024x16xf32>
    %broadcast_in_dim3A = arith.constant 0.000000e+00 : f32
    %broadcast_in_dim3A_14 = vector.broadcast %broadcast_in_dim3A : f32 to vector<1024x112xf32>
    %concatenate3A = tpu.concatenate %get3A_10, %dot_general3A_7, %get3A_13, %broadcast_in_dim3A_14 in 1 : vector<1024x64xf32>, vector<1024x64xf32>, vector<1024x16xf32>, vector<1024x112xf32> -> vector<1024x256xf32>
    %reshape3A = vector.shape_cast %concatenate3A : vector<1024x256xf32> to vector<262144xf32>
    %swap3A = arith.constant 0 : index
    %swap3A_15 = vector.load %arg4[%swap3A] : memref<262144xf32, #tpu.memory_space<vmem>>, vector<262144xf32>
    tpu.vector_store %arg4[%swap3A], %reshape3A {strides = array<i32>} : memref<262144xf32, #tpu.memory_space<vmem>>, vector<262144xf32>,
    %get3A_16 = arith.constant 0 : index
    %get3A_17 = arith.constant 0 : index
    %get3A_18 = vector.load %arg0[%get3A_16, %get3A_17] : memref<1024x64xf32, #tpu.memory_space<vmem>>, vector<1024x64xf32>
    %concatenate3A_19 = tpu.concatenate %get3A_18, %dot_general3A_7 in 1 : vector<1024x64xf32>, vector<1024x64xf32> -> vector<1024x128xf32>
    %convert_element_type3A_20 = arith.truncf %concatenate3A_19 : vector<1024x128xf32> to vector<1024x128xbf16>
    %swap3A_21 = arith.constant 0 : index
    %swap3A_22 = arith.constant 0 : index
    %swap3A_23 = vector.load %arg5[%swap3A_21, %swap3A_22] : memref<1024x128xbf16, #tpu.memory_space<vmem>>, vector<1024x128xbf16>
    tpu.vector_store %arg5[%swap3A_21, %swap3A_22], %convert_element_type3A_20 {strides = array<i32>} : memref<1024x128xbf16, #tpu.memory_space<vmem>>, vector<1024x128xbf16>,
    %convert_element_type3A_24 = arith.extf %convert_element_type3A_20 : vector<1024x128xbf16> to vector<1024x128xf32>
    %sub3A = arith.subf %concatenate3A_19, %convert_element_type3A_24 : vector<1024x128xf32>
    %convert_element_type3A_25 = arith.truncf %sub3A : vector<1024x128xf32> to vector<1024x128xbf16>
    %swap3A_26 = arith.constant 0 : index
    %swap3A_27 = arith.constant 0 : index
    %swap3A_28 = vector.load %arg6[%swap3A_26, %swap3A_27] : memref<1024x128xbf16, #tpu.memory_space<vmem>>, vector<1024x128xbf16>
    tpu.vector_store %arg6[%swap3A_26, %swap3A_27], %convert_element_type3A_25 {strides = array<i32>} : memref<1024x128xbf16, #tpu.memory_space<vmem>>, vector<1024x128xbf16>,
    return
  }
}

module attributes {stable_mosaic.version = 14 : i64} {
  func.func @_mlp_body(%arg0: i32, %arg1: memref<1024x128xf32, #tpu.memory_space<vmem>>, %arg2: memref<1024x1xi32, #tpu.memory_space<vmem>>, %arg3: memref<1024x256xf32, #tpu.memory_space<vmem>>, %arg4: memref<1048576xf32, #tpu.memory_space<vmem>>, %arg5: memref<1024x1xf32, #tpu.memory_space<vmem>>, %arg6: memref<1024x128xbf16, #tpu.memory_space<vmem>>, %arg7: memref<1024x128xbf16, #tpu.memory_space<vmem>>, %arg8: memref<128x128xf32, #tpu.memory_space<vmem>>, %arg9: memref<128xf32, #tpu.memory_space<vmem>>, %arg10: memref<320x80xf32, #tpu.memory_space<vmem>>, %arg11: memref<80xf32, #tpu.memory_space<vmem>>, %arg12: memref<80x40xf32, #tpu.memory_space<vmem>>, %arg13: memref<40xf32, #tpu.memory_space<vmem>>, %arg14: memref<40x1xf32, #tpu.memory_space<vmem>>, %arg15: memref<1xf32, #tpu.memory_space<vmem>>, %arg16: memref<1024xf32, #tpu.memory_space<vmem>>, %arg17: memref<1024xf32, #tpu.memory_space<vmem>>) attributes {dimension_semantics = [#tpu.dimension_semantics<arbitrary>], iteration_bounds = array<i64: 4>, scalar_prefetch = 0 : i64, scratch_operands = 0 : i64, tpu.core_type = #tpu.core_type<tc>, window_params = [{transform_indices = @transform_0, window_bounds = array<i64: 1024, 128>}, {transform_indices = @transform_1, window_bounds = array<i64: 1024, 1>}, {transform_indices = @transform_2, window_bounds = array<i64: 1024, 256>}, {transform_indices = @transform_3, window_bounds = array<i64: 1048576>}, {transform_indices = @transform_4, window_bounds = array<i64: 1024, 1>}, {pipeline_mode = #tpu.pipeline_mode<synchronous>, transform_indices = @transform_5, window_bounds = array<i64: 1024, 128>}, {pipeline_mode = #tpu.pipeline_mode<synchronous>, transform_indices = @transform_6, window_bounds = array<i64: 1024, 128>}, {pipeline_mode = #tpu.pipeline_mode<synchronous>, transform_indices = @transform_7, window_bounds = array<i64: 128, 128>}, {pipeline_mode = #tpu.pipeline_mode<synchronous>, transform_indices = @transform_8, window_bounds = array<i64: 128>}, {pipeline_mode = #tpu.pipeline_mode<synchronous>, transform_indices = @transform_9, window_bounds = array<i64: 320, 80>}, {pipeline_mode = #tpu.pipeline_mode<synchronous>, transform_indices = @transform_10, window_bounds = array<i64: 80>}, {pipeline_mode = #tpu.pipeline_mode<synchronous>, transform_indices = @transform_11, window_bounds = array<i64: 80, 40>}, {pipeline_mode = #tpu.pipeline_mode<synchronous>, transform_indices = @transform_12, window_bounds = array<i64: 40>}, {pipeline_mode = #tpu.pipeline_mode<synchronous>, transform_indices = @transform_13, window_bounds = array<i64: 40, 1>}, {pipeline_mode = #tpu.pipeline_mode<synchronous>, transform_indices = @transform_14, window_bounds = array<i64: 1>}, {transform_indices = @transform_15, window_bounds = array<i64: 1024>}, {transform_indices = @transform_16, window_bounds = array<i64: 1024>}]} {
    %get3A = arith.constant 0 : index
    %get3A_0 = vector.load %arg4[%get3A] : memref<1048576xf32, #tpu.memory_space<vmem>>, vector<1048576xf32>
    %reshape3A = vector.shape_cast %get3A_0 : vector<1048576xf32> to vector<1024x1024xf32>
    %convert_element_type3A = arith.truncf %reshape3A : vector<1024x1024xf32> to vector<1024x1024xbf16>
    %get3A_1 = arith.constant 0 : index
    %get3A_2 = arith.constant 0 : index
    %get3A_3 = vector.load %arg6[%get3A_1, %get3A_2] : memref<1024x128xbf16, #tpu.memory_space<vmem>>, vector<1024x128xbf16>
    %dot_general3A = arith.constant dense<0.000000e+00> : vector<1024x128xf32>
    %dot_general3A_4 = tpu.matmul %convert_element_type3A, %get3A_3, %dot_general3A {dimension_numbers = #tpu.dot_dimension_numbers<[1], [0], [0], [1], [0, 0, 1, 1], [], []>, transpose_lhs_hint = false} : vector<1024x1024xbf16>, vector<1024x128xbf16>, vector<1024x128xf32> -> vector<1024x128xf32>
    %get3A_5 = arith.constant 0 : index
    %get3A_6 = arith.constant 0 : index
    %get3A_7 = vector.load %arg7[%get3A_5, %get3A_6] : memref<1024x128xbf16, #tpu.memory_space<vmem>>, vector<1024x128xbf16>
    %dot_general3A_8 = arith.constant dense<0.000000e+00> : vector<1024x128xf32>
    %dot_general3A_9 = tpu.matmul %convert_element_type3A, %get3A_7, %dot_general3A_8 {dimension_numbers = #tpu.dot_dimension_numbers<[1], [0], [0], [1], [0, 0, 1, 1], [], []>, transpose_lhs_hint = false} : vector<1024x1024xbf16>, vector<1024x128xbf16>, vector<1024x128xf32> -> vector<1024x128xf32>
    %add3A = arith.addf %dot_general3A_4, %dot_general3A_9 : vector<1024x128xf32>
    %get3A_10 = arith.constant 0 : index
    %get3A_11 = arith.constant 0 : index
    %get3A_12 = vector.load %arg5[%get3A_10, %get3A_11] : memref<1024x1xf32, #tpu.memory_space<vmem>>, vector<1024x1xf32>
    %gt3A = arith.constant 0.000000e+00 : f32
    %gt3A_13 = vector.broadcast %gt3A : f32 to vector<1024x1xf32>
    %gt3A_14 = arith.cmpf ogt, %get3A_12, %gt3A_13 : vector<1024x1xf32>
    %convert_element_type3A_15 = arith.extui %gt3A_14 : vector<1024x1xi1> to vector<1024x1xi32>
    %convert_element_type3A_16 = arith.sitofp %convert_element_type3A_15 : vector<1024x1xi32> to vector<1024x1xf32>
    %div3A = arith.divf %convert_element_type3A_16, %get3A_12 : vector<1024x1xf32>
    %mul3A = vector.broadcast %div3A : vector<1024x1xf32> to vector<1024x128xf32>
    %mul3A_17 = arith.mulf %add3A, %mul3A : vector<1024x128xf32>
    %mul3A_18 = arith.constant 0.999500393 : f32
    %mul3A_19 = vector.broadcast %mul3A_18 : f32 to vector<1024x128xf32>
    %mul3A_20 = arith.mulf %mul3A_17, %mul3A_19 : vector<1024x128xf32>
    %get3A_21 = arith.constant 0 : index
    %get3A_22 = arith.constant 0 : index
    %get3A_23 = vector.load %arg8[%get3A_21, %get3A_22] : memref<128x128xf32, #tpu.memory_space<vmem>>, vector<128x128xf32>
    %dot_general3A_24 = arith.constant dense<0.000000e+00> : vector<1024x128xf32>
    %dot_general3A_25 = tpu.matmul %mul3A_20, %get3A_23, %dot_general3A_24 {dimension_numbers = #tpu.dot_dimension_numbers<[1], [0], [0], [1], [0, 0, 1, 1], [], []>, transpose_lhs_hint = false} : vector<1024x128xf32>, vector<128x128xf32>, vector<1024x128xf32> -> vector<1024x128xf32>
    %get3A_26 = arith.constant 0 : index
    %get3A_27 = vector.load %arg9[%get3A_26] : memref<128xf32, #tpu.memory_space<vmem>>, vector<128xf32>
    %reshape3A_28 = vector.shape_cast %get3A_27 : vector<128xf32> to vector<1x128xf32>
    %add3A_29 = vector.broadcast %reshape3A_28 : vector<1x128xf32> to vector<1024x128xf32>
    %add3A_30 = arith.addf %dot_general3A_25, %add3A_29 : vector<1024x128xf32>
    %get3A_31 = arith.constant 0 : index
    %get3A_32 = arith.constant 0 : index
    %get3A_33 = vector.load %arg3[%get3A_31, %get3A_32] : memref<1024x256xf32, #tpu.memory_space<vmem>>, vector<1024x256xf32>
    %get3A_34 = arith.constant 0 : index
    %get3A_35 = arith.constant 0 : index
    %get3A_36 = vector.load %arg1[%get3A_34, %get3A_35] : memref<1024x128xf32, #tpu.memory_space<vmem>>, vector<1024x128xf32>
    %get3A_37 = arith.constant 0 : index
    %get3A_38 = arith.constant 0 : index
    %get3A_39 = vector.load %arg2[%get3A_37, %get3A_38] : memref<1024x1xi32, #tpu.memory_space<vmem>>, vector<1024x1xi32>
    %and3A = arith.constant 1 : i32
    %and3A_40 = vector.broadcast %and3A : i32 to vector<1024x1xi32>
    %and3A_41 = arith.andi %get3A_39, %and3A_40 : vector<1024x1xi32>
    %eq3A = arith.constant 1 : i32
    %eq3A_42 = vector.broadcast %eq3A : i32 to vector<1024x1xi32>
    %eq3A_43 = arith.cmpi eq, %and3A_41, %eq3A_42 : vector<1024x1xi32>
    %slice3A = vector.extract_strided_slice %get3A_36 {offsets = [0, 64], sizes = [1024, 64], strides = [1, 1]} : vector<1024x128xf32> to vector<1024x64xf32>
    %slice3A_44 = vector.extract_strided_slice %get3A_36 {offsets = [0, 0], sizes = [1024, 64], strides = [1, 1]} : vector<1024x128xf32> to vector<1024x64xf32>
    %broadcast_in_dim3A = vector.shape_cast %eq3A_43 : vector<1024x1xi1> to vector<1024x1xi1>
    %broadcast_in_dim3A_45 = vector.broadcast %broadcast_in_dim3A : vector<1024x1xi1> to vector<1024x64xi1>
    %select_n3A = arith.select %broadcast_in_dim3A_45, %slice3A, %slice3A_44 : vector<1024x64xi1>, vector<1024x64xf32>
    %mul3A_46 = arith.constant 0.999500393 : f32
    %mul3A_47 = vector.broadcast %mul3A_46 : f32 to vector<1024x64xf32>
    %mul3A_48 = arith.mulf %select_n3A, %mul3A_47 : vector<1024x64xf32>
    %get3A_49 = arith.constant 0 : index
    %get3A_50 = arith.constant 0 : index
    %get3A_51 = vector.load %arg10[%get3A_49, %get3A_50] : memref<320x80xf32, #tpu.memory_space<vmem>>, vector<64x80xf32>
    %dot_general3A_52 = arith.constant dense<0.000000e+00> : vector<1024x80xf32>
    %dot_general3A_53 = tpu.matmul %mul3A_48, %get3A_51, %dot_general3A_52 {dimension_numbers = #tpu.dot_dimension_numbers<[1], [0], [0], [1], [0, 0, 1, 1], [], []>, transpose_lhs_hint = false} : vector<1024x64xf32>, vector<64x80xf32>, vector<1024x80xf32> -> vector<1024x80xf32>
    %slice3A_54 = vector.extract_strided_slice %get3A_33 {offsets = [0, 0], sizes = [1024, 128], strides = [1, 1]} : vector<1024x256xf32> to vector<1024x128xf32>
    %mul3A_55 = arith.constant 0.999500393 : f32
    %mul3A_56 = vector.broadcast %mul3A_55 : f32 to vector<1024x128xf32>
    %mul3A_57 = arith.mulf %slice3A_54, %mul3A_56 : vector<1024x128xf32>
    %get3A_58 = arith.constant 64 : index
    %get3A_59 = arith.constant 0 : index
    %get3A_60 = vector.load %arg10[%get3A_58, %get3A_59] : memref<320x80xf32, #tpu.memory_space<vmem>>, vector<128x80xf32>
    %dot_general3A_61 = arith.constant dense<0.000000e+00> : vector<1024x80xf32>
    %dot_general3A_62 = tpu.matmul %mul3A_57, %get3A_60, %dot_general3A_61 {dimension_numbers = #tpu.dot_dimension_numbers<[1], [0], [0], [1], [0, 0, 1, 1], [], []>, transpose_lhs_hint = false} : vector<1024x128xf32>, vector<128x80xf32>, vector<1024x80xf32> -> vector<1024x80xf32>
    %add3A_63 = arith.addf %dot_general3A_53, %dot_general3A_62 : vector<1024x80xf32>
    %mul3A_64 = arith.constant 0.999500393 : f32
    %mul3A_65 = vector.broadcast %mul3A_64 : f32 to vector<1024x128xf32>
    %mul3A_66 = arith.mulf %add3A_30, %mul3A_65 : vector<1024x128xf32>
    %get3A_67 = arith.constant 192 : index
    %get3A_68 = arith.constant 0 : index
    %get3A_69 = vector.load %arg10[%get3A_67, %get3A_68] : memref<320x80xf32, #tpu.memory_space<vmem>>, vector<128x80xf32>
    %dot_general3A_70 = arith.constant dense<0.000000e+00> : vector<1024x80xf32>
    %dot_general3A_71 = tpu.matmul %mul3A_66, %get3A_69, %dot_general3A_70 {dimension_numbers = #tpu.dot_dimension_numbers<[1], [0], [0], [1], [0, 0, 1, 1], [], []>, transpose_lhs_hint = false} : vector<1024x128xf32>, vector<128x80xf32>, vector<1024x80xf32> -> vector<1024x80xf32>
    %add3A_72 = arith.addf %add3A_63, %dot_general3A_71 : vector<1024x80xf32>
    %get3A_73 = arith.constant 0 : index
    %get3A_74 = vector.load %arg11[%get3A_73] : memref<80xf32, #tpu.memory_space<vmem>>, vector<80xf32>
    %reshape3A_75 = vector.shape_cast %get3A_74 : vector<80xf32> to vector<1x80xf32>
    %add3A_76 = vector.broadcast %reshape3A_75 : vector<1x80xf32> to vector<1024x80xf32>
    %add3A_77 = arith.addf %add3A_72, %add3A_76 : vector<1024x80xf32>
    %logistic3A = arith.negf %add3A_77 : vector<1024x80xf32>
    %logistic3A_78 = math.exp %logistic3A : vector<1024x80xf32>
    %logistic3A_79 = arith.constant 1.000000e+00 : f32
    %logistic3A_80 = vector.broadcast %logistic3A_79 : f32 to vector<1024x80xf32>
    %logistic3A_81 = arith.addf %logistic3A_80, %logistic3A_78 : vector<1024x80xf32>
    %logistic3A_82 = arith.divf %logistic3A_80, %logistic3A_81 : vector<1024x80xf32>
    %get3A_83 = arith.constant 0 : index
    %get3A_84 = arith.constant 0 : index
    %get3A_85 = vector.load %arg12[%get3A_83, %get3A_84] : memref<80x40xf32, #tpu.memory_space<vmem>>, vector<80x40xf32>
    %dot_general3A_86 = arith.constant dense<0.000000e+00> : vector<1024x40xf32>
    %dot_general3A_87 = tpu.matmul %logistic3A_82, %get3A_85, %dot_general3A_86 {dimension_numbers = #tpu.dot_dimension_numbers<[1], [0], [0], [1], [0, 0, 1, 1], [], []>, transpose_lhs_hint = false} : vector<1024x80xf32>, vector<80x40xf32>, vector<1024x40xf32> -> vector<1024x40xf32>
    %get3A_88 = arith.constant 0 : index
    %get3A_89 = vector.load %arg13[%get3A_88] : memref<40xf32, #tpu.memory_space<vmem>>, vector<40xf32>
    %reshape3A_90 = vector.shape_cast %get3A_89 : vector<40xf32> to vector<1x40xf32>
    %add3A_91 = vector.broadcast %reshape3A_90 : vector<1x40xf32> to vector<1024x40xf32>
    %add3A_92 = arith.addf %dot_general3A_87, %add3A_91 : vector<1024x40xf32>
    %logistic3A_93 = arith.negf %add3A_92 : vector<1024x40xf32>
    %logistic3A_94 = math.exp %logistic3A_93 : vector<1024x40xf32>
    %logistic3A_95 = arith.constant 1.000000e+00 : f32
    %logistic3A_96 = vector.broadcast %logistic3A_95 : f32 to vector<1024x40xf32>
    %logistic3A_97 = arith.addf %logistic3A_96, %logistic3A_94 : vector<1024x40xf32>
    %logistic3A_98 = arith.divf %logistic3A_96, %logistic3A_97 : vector<1024x40xf32>
    %get3A_99 = arith.constant 0 : index
    %get3A_100 = arith.constant 0 : index
    %get3A_101 = vector.load %arg14[%get3A_99, %get3A_100] : memref<40x1xf32, #tpu.memory_space<vmem>>, vector<40x1xf32>
    %dot_general3A_102 = arith.constant dense<0.000000e+00> : vector<1024x1xf32>
    %dot_general3A_103 = tpu.matmul %logistic3A_98, %get3A_101, %dot_general3A_102 {dimension_numbers = #tpu.dot_dimension_numbers<[1], [0], [0], [1], [0, 0, 1, 1], [], []>, transpose_lhs_hint = false} : vector<1024x40xf32>, vector<40x1xf32>, vector<1024x1xf32> -> vector<1024x1xf32>
    %get3A_104 = arith.constant 0 : index
    %get3A_105 = vector.load %arg15[%get3A_104] : memref<1xf32, #tpu.memory_space<vmem>>, vector<1xf32>
    %reshape3A_106 = vector.shape_cast %get3A_105 : vector<1xf32> to vector<1x1xf32>
    %add3A_107 = vector.broadcast %reshape3A_106 : vector<1x1xf32> to vector<1024x1xf32>
    %add3A_108 = arith.addf %dot_general3A_103, %add3A_107 : vector<1024x1xf32>
    %slice3A_109 = vector.extract_strided_slice %get3A_33 {offsets = [0, 128], sizes = [1024, 1], strides = [1, 1]} : vector<1024x256xf32> to vector<1024x1xf32>
    %add3A_110 = arith.addf %add3A_108, %slice3A_109 : vector<1024x1xf32>
    %reshape3A_111 = vector.shape_cast %add3A_110 : vector<1024x1xf32> to vector<1024xf32>
    %swap3A = arith.constant 0 : index
    %swap3A_112 = vector.load %arg16[%swap3A] : memref<1024xf32, #tpu.memory_space<vmem>>, vector<1024xf32>
    tpu.vector_store %arg16[%swap3A], %reshape3A_111 {strides = array<i32>} : memref<1024xf32, #tpu.memory_space<vmem>>, vector<1024xf32>,
    %logistic3A_113 = arith.negf %add3A_110 : vector<1024x1xf32>
    %logistic3A_114 = math.exp %logistic3A_113 : vector<1024x1xf32>
    %logistic3A_115 = arith.constant 1.000000e+00 : f32
    %logistic3A_116 = vector.broadcast %logistic3A_115 : f32 to vector<1024x1xf32>
    %logistic3A_117 = arith.addf %logistic3A_116, %logistic3A_114 : vector<1024x1xf32>
    %logistic3A_118 = arith.divf %logistic3A_116, %logistic3A_117 : vector<1024x1xf32>
    %reshape3A_119 = vector.shape_cast %logistic3A_118 : vector<1024x1xf32> to vector<1024xf32>
    %swap3A_120 = arith.constant 0 : index
    %swap3A_121 = vector.load %arg17[%swap3A_120] : memref<1024xf32, #tpu.memory_space<vmem>>, vector<1024xf32>
    tpu.vector_store %arg17[%swap3A_120], %reshape3A_119 {strides = array<i32>} : memref<1024xf32, #tpu.memory_space<vmem>>, vector<1024xf32>,
    return
  }
  func.func @transform_0(%arg0: i32) -> (i32, i32) {
    %c0_i32 = arith.constant 0 : i32
    %c0_i32_0 = arith.constant 0 : i32
    return %arg0, %c0_i32 : i32, i32
  }
  func.func @transform_1(%arg0: i32) -> (i32, i32) {
    %c0_i32 = arith.constant 0 : i32
    %c0_i32_0 = arith.constant 0 : i32
    return %arg0, %c0_i32 : i32, i32
  }
  func.func @transform_2(%arg0: i32) -> (i32, i32) {
    %c0_i32 = arith.constant 0 : i32
    %c0_i32_0 = arith.constant 0 : i32
    return %arg0, %c0_i32 : i32, i32
  }
  func.func @transform_3(%arg0: i32) -> i32 {
    %c0_i32 = arith.constant 0 : i32
    return %arg0 : i32
  }
  func.func @transform_4(%arg0: i32) -> (i32, i32) {
    %c0_i32 = arith.constant 0 : i32
    %c0_i32_0 = arith.constant 0 : i32
    return %arg0, %c0_i32 : i32, i32
  }
  func.func @transform_5(%arg0: i32) -> (i32, i32) {
    %c0_i32 = arith.constant 0 : i32
    %c0_i32_0 = arith.constant 0 : i32
    %c0_i32_1 = arith.constant 0 : i32
    return %c0_i32, %c0_i32_0 : i32, i32
  }
  func.func @transform_6(%arg0: i32) -> (i32, i32) {
    %c0_i32 = arith.constant 0 : i32
    %c0_i32_0 = arith.constant 0 : i32
    %c0_i32_1 = arith.constant 0 : i32
    return %c0_i32, %c0_i32_0 : i32, i32
  }
  func.func @transform_7(%arg0: i32) -> (i32, i32) {
    %c0_i32 = arith.constant 0 : i32
    %c0_i32_0 = arith.constant 0 : i32
    %c0_i32_1 = arith.constant 0 : i32
    return %c0_i32, %c0_i32_0 : i32, i32
  }
  func.func @transform_8(%arg0: i32) -> i32 {
    %c0_i32 = arith.constant 0 : i32
    %c0_i32_0 = arith.constant 0 : i32
    return %c0_i32 : i32
  }
  func.func @transform_9(%arg0: i32) -> (i32, i32) {
    %c0_i32 = arith.constant 0 : i32
    %c0_i32_0 = arith.constant 0 : i32
    %c0_i32_1 = arith.constant 0 : i32
    return %c0_i32, %c0_i32_0 : i32, i32
  }
  func.func @transform_10(%arg0: i32) -> i32 {
    %c0_i32 = arith.constant 0 : i32
    %c0_i32_0 = arith.constant 0 : i32
    return %c0_i32 : i32
  }
  func.func @transform_11(%arg0: i32) -> (i32, i32) {
    %c0_i32 = arith.constant 0 : i32
    %c0_i32_0 = arith.constant 0 : i32
    %c0_i32_1 = arith.constant 0 : i32
    return %c0_i32, %c0_i32_0 : i32, i32
  }
  func.func @transform_12(%arg0: i32) -> i32 {
    %c0_i32 = arith.constant 0 : i32
    %c0_i32_0 = arith.constant 0 : i32
    return %c0_i32 : i32
  }
  func.func @transform_13(%arg0: i32) -> (i32, i32) {
    %c0_i32 = arith.constant 0 : i32
    %c0_i32_0 = arith.constant 0 : i32
    %c0_i32_1 = arith.constant 0 : i32
    return %c0_i32, %c0_i32_0 : i32, i32
  }
  func.func @transform_14(%arg0: i32) -> i32 {
    %c0_i32 = arith.constant 0 : i32
    %c0_i32_0 = arith.constant 0 : i32
    return %c0_i32 : i32
  }
  func.func @transform_15(%arg0: i32) -> i32 {
    %c0_i32 = arith.constant 0 : i32
    return %arg0 : i32
  }
  func.func @transform_16(%arg0: i32) -> i32 {
    %c0_i32 = arith.constant 0 : i32
    return %arg0 : i32
  }
}

</mosaic_0001>

<sc_bundles>
// kernel: kernel.6.cloned.1.call-start
scs
__scs_entry_jumppad:
0x0: {  	(pc) =	sbr.rel $0x88, $3  }
0x1: {  	(tag) =	ssettag $0x0;
	lr =	simm.s32 $0x1  }
0x2: {  	[smem:$0x3F90] =	sst lr;
	_ =	strace $0xD0000000  }
0x3: {  	_ = 	snop  }
0x4: {  	_ = 	snop  }
0x5: {  	_ = 	snop  }
0x6: {  	_ = 	snop  }
0x7: {  	_ = 	snop  }
__scs_overlays_trampoline_lowered:
0x8: {  	[smem:$0x3F9F] =	sst s0  }
0x9: {  	[smem:$0x3FA0] =	sst s1  }
0xa: {  	[smem:$0x3FA1] =	sst s2  }
0xb: {  	[smem:$0x3FA2] =	sst s3  }
0xc: {  	[smem:$0x3FA3] =	sst s4  }
0xd: {  	[smem:$0x3FA4] =	sst s5  }
0xe: {  	[smem:$0x3FA5] =	sst s6  }
0xf: {  	[smem:$0x3FA6] =	sst s7  }
0x10: {  	[smem:$0x3FA7] =	sst s8  }
0x11: {  	[smem:$0x3FA8] =	sst s9;
	s0 =	simm.s32 @!p0 $0x0  }
0x12: {  	s1 =	sld [smem:$0x3F8E];
	s0 =	simm.s32 @p0 $0x1  }
0x13: {  	[smem:$0x3FA9] =	sst s0;
	s0 =	simm.s32 @!p1 $0x0  }
0x14: {  	s2 =	sld [smem:$0x3F8D];
	s0 =	simm.s32 @p1 $0x1  }
0x15: {  	[smem:$0x3FAA] =	sst s0;
	s0 =	simm.s32 @!p2 $0x0  }
0x16: {  	s3 =	sld [smem:$0x3FDB];
	s0 =	simm.s32 @p2 $0x1  }
0x17: {  	s4 =	simm.s32 $0x1BF5;
	[smem:$0x3FAC] =	sst s0  }
0x18: {  	s0 =	sld [smem:$0x3F8F];
	_ =	swait.ge [sflag:s4], $0x0  }
0x19: {  	s7 =	sld [smem:$0x3F90]  }
0x1a: {  	s8 =	sadd.s32 $0xFFFFE003, lr  }
0x1b: {  	s9 =	sadd.s32 $0xFFFFFEF7, lr;
	s5 =	simm.s32 $0xFFFFFFFF;
	p2 =	slt.u32 s8, $0xFFFFF086  }
0x1c: {  	p1 =	slt.u32 s9, $0xF7A;
	s5 =	simm.s32 @!p2 $0x0  }
0x1d: {  	s5 =	simm.s32 @p1 $0x1;
	p0 =	seq.s32 s7, s2  }
0x1e: {  	s7 =	smul.u32 @!p0 $0xF7A, s2;
	p2 =	seq.s32 @!p0 s5, $0x0  }
0x1f: {  	s9 =	smul.u32 $0xF7A, s1;
	s8 =	simm.s32 @!p0 $0x1BF5;
	p2 =	por !p2, p0  }
0x20: {  	[sflag:s8] =	ssyncset.s32 @!p0 $0xFFFFF086;
	s6 =	sadd.s32 @!p0 s3, s7;
	s7 =	simm.s32 @!p0 $0x108  }
0x21: {  	s3 =	sadd.s32 s3, s9;
	s6 =	sadd.s32 @!p0 $0x88, s6;
	s7 =	simm.s32 @p2 $0x1082  }
0x22: {  	[simem:s7], [sflag:s8] =	dma.local @!p0 [hbm:s6], $0xF7A  }
0x23: {  	s9 =	sor.u32 $0xD0000000, s2;
	s6 =	simm.s32 $0x108;
	_ =	swait.ge @!p0 [sflag:s8], $0x0  }
0x24: {  	s3 =	sadd.s32 $0x88, s3;
	s6 =	simm.s32 @!p1 $0x1082;
	[sflag:s4] =	ssyncset.s32 $0xFFFFF086  }
0x25: {  	[simem:s6], [sflag:s4] =	dma.local [hbm:s3], $0xF7A  }
0x26: {  	[smem:$0x3F90] =	sst s1;
	(tag) =	ssettag s2;
	_ =	strace s9  }
0x27: {  	s1 =	sld [smem:$0x3FA0]  }
0x28: {  	s2 =	sld [smem:$0x3FA1]  }
0x29: {  	s4 =	sld [smem:$0x3FA3]  }
0x2a: {  	p0 =	seq.s32 s5, $0x0;
	s5 =	sld [smem:$0x3FA4]  }
0x2b: {  	s6 =	sld [smem:$0x3FA5]  }
0x2c: {  	s7 =	sld [smem:$0x3FA6]  }
0x2d: {  	s3 =	simm.s32 $0x108;
	s8 =	sld [smem:$0x3FA7]  }
0x2e: {  	s3 =	simm.s32 @!p0 $0x1082;
	s9 =	sld [smem:$0x3FA8]  }
0x2f: {  	lr =	sadd.s32 s0, s3;
	s0 =	sld [smem:$0x3F9F]  }
0x30: {  	s3 =	sld [smem:$0x3FA2]  }
0x31: {  	[smem:$0x3FAB] =	sst s10  }
0x32: {  	s10 =	sld [smem:$0x3FA9];
	_ =	sdelay $0x3  }
0x33: {  	p0 =	seq.s32 s10, $0x1;
	s10 =	sld [smem:$0x3FAB];
	_ =	sdelay $0x3  }
0x34: {  	[smem:$0x3FAB] =	sst s10  }
0x35: {  	s10 =	sld [smem:$0x3FAA];
	_ =	sdelay $0x3  }
0x36: {  	p1 =	seq.s32 s10, $0x1;
	s10 =	sld [smem:$0x3FAB];
	_ =	sdelay $0x3  }
0x37: {  	[smem:$0x3FAB] =	sst s10  }
0x38: {  	s10 =	sld [smem:$0x3FAC]  }
0x39: {  	_ = 	snop;
	(pc) =	sbr.ind lr, $3  }
0x3a: {  	_ = 	snop  }
0x3b: {  	_ = 	snop  }
0x3c: {  	p2 =	seq.s32 s10, $0x1;
	s10 =	sld [smem:$0x3FAB]  }
0x3d: {  	_ =	shalt  }
0x3e: {  	_ =	shalt  }
0x3f: {  	_ =	shalt  }
0x40: {  	_ =	shalt  }
0x41: {  	_ =	shalt  }
0x42: {  	_ =	shalt  }
0x43: {  	_ =	shalt  }
0x44: {  	_ =	shalt  }
0x45: {  	_ =	shalt  }
0x46: {  	_ =	shalt  }
0x47: {  	_ =	shalt  }
0x48: {  	_ =	shalt  }
0x49: {  	_ =	shalt  }
0x4a: {  	_ =	shalt  }
0x4b: {  	_ =	shalt  }
0x4c: {  	_ =	shalt  }
0x4d: {  	_ =	shalt  }
0x4e: {  	_ =	shalt  }
0x4f: {  	_ =	shalt  }
0x50: {  	_ =	shalt  }
0x51: {  	_ =	shalt  }
0x52: {  	_ =	shalt  }
0x53: {  	_ =	shalt  }
0x54: {  	_ =	shalt  }
0x55: {  	_ =	shalt  }
0x56: {  	_ =	shalt  }
0x57: {  	_ =	shalt  }
0x58: {  	_ =	shalt  }
0x59: {  	_ =	shalt  }
0x5a: {  	_ =	shalt  }
0x5b: {  	_ =	shalt  }
0x5c: {  	_ =	shalt  }
0x5d: {  	_ =	shalt  }
0x5e: {  	_ =	shalt  }
0x5f: {  	_ =	shalt  }
0x60: {  	_ =	shalt  }
0x61: {  	_ =	shalt  }
0x62: {  	_ =	shalt  }
0x63: {  	_ =	shalt  }
0x64: {  	_ =	shalt  }
0x65: {  	_ =	shalt  }
0x66: {  	_ =	shalt  }
0x67: {  	_ =	shalt  }
0x68: {  	_ =	shalt  }
0x69: {  	_ =	shalt  }
0x6a: {  	_ =	shalt  }
0x6b: {  	_ =	shalt  }
0x6c: {  	_ =	shalt  }
0x6d: {  	_ =	shalt  }
0x6e: {  	_ =	shalt  }
0x6f: {  	_ =	shalt  }
0x70: {  	_ =	shalt  }
0x71: {  	_ =	shalt  }
0x72: {  	_ =	shalt  }
0x73: {  	_ =	shalt  }
0x74: {  	_ =	shalt  }
0x75: {  	_ =	shalt  }
0x76: {  	_ =	shalt  }
0x77: {  	_ =	shalt  }
0x78: {  	_ =	shalt  }
0x79: {  	_ =	shalt  }
0x7a: {  	_ =	shalt  }
0x7b: {  	_ =	shalt  }
0x7c: {  	_ =	shalt  }
0x7d: {  	_ =	shalt  }
0x7e: {  	_ =	shalt  }
0x7f: {  	_ =	shalt  }
0x80: {  	_ =	shalt  }
0x81: {  	_ =	shalt  }
0x82: {  	_ =	shalt  }
0x83: {  	_ =	shalt  }
0x84: {  	_ =	shalt  }
0x85: {  	_ =	shalt  }
0x86: {  	_ =	shalt  }
0x87: {  	_ =	shalt  }
.Lfunc_end0:
.L_simem_size_0:
called_computation_lowered:
.L_overlay_start_0:
0x88: {  	s2 =	sld [smem:$0x3FD9]  }
0x89: {  	s3 =	sld [smem:$0x3FFE];
	_ =	sdelay $0x1  }
0x8a: {  	s1 =	srdreg.scid  }
0x8b: {  	s0 =	sand.u32 $0x1, s1  }
0x8c: {  	s17 =	sshll.u32 s0, $0xA;
	s2 =	sadd.s32 s3, s2  }
0x8d: {  	s2 =	sadd.s32 s2, s17  }
0x8e: {  	[smem:$0x3FB7] =	sst s2  }
0x8f: {  	_ = 	snop  }
0x90: {  	s2 =	sld [smem:$0x3FC8];
	(tm) =	ssettm $0x1  }
0x91: {  	s18 =	sld [smem:$0x3FFB];
	_ =	sdelay $0x3  }
0x92: {  	_ =	strace s18  }
0x93: {  	s3 =	sld [smem:$0x3FFC];
	_ =	sdelay $0x3  }
0x94: {  	_ =	strace s3  }
0x95: {  	s3 =	sld [smem:$0x3FFD];
	_ =	sdelay $0x3  }
0x96: {  	_ =	strace s3  }
0x97: {  	_ =	strace $0x8FFFFFFF  }
0x98: {  	s19 =	sld [smem:$0x3FDB];
	_ =	sdelay $0x1  }
0x99: {  	s4 =	simm.s32 $_scs_section_size  }
0x9a: {  	s5 =	simm.s32 $_size__tile_overlayer_lowered;
	s6 =	simm.s32 $_tile_overlayer_lowered  }
0x9b: {  	s22 =	simm.s32 $0x1BFF;
	s21 =	sshll.u32 s6, $0x1;
	s3 =	sadd.s32 s4, s19  }
0x9c: {  	s7 =	simm.s32 $0x0;
	s20 =	sshll.u32 s5, $0x1;
	s5 =	sadd.s32 s21, s3  }
0x9d: {  	[timem:s7], [sflag:s22] =	dma.local [hbm:s5], s20  }
0x9e: {  	_ =	swait.ge [sflag:s22], s20  }
0x9f: {  	s4 =	ssub.s32 $0x0, s20;
	[sflag:s22] =	ssyncset.done $0x0  }
0xa0: {  	[sflag:s22] =	ssyncadd.s32 s4;
	_ =	sdelay $0x1  }
0xa1: {  	s23 =	simm.s32 $0x1B8B  }
0xa2: {  	_ =	swait.ge [sflag:s23], $0x1  }
0xa3: {  	[sflag:s23] =	ssyncset.done $0x0  }
0xa4: {  	s25 =	simm.s32 $0x1B8E;
	s24 =	sld [smem:$0x3FFE];
	[sflag:s23] =	ssyncadd.s32 $0xFFFFFFFF  }
0xa5: {  	s26 =	simm.s32 $execute0_lowered;
	[smem:$0x3FD2] =	sst s25  }
0xa6: {  	s5 =	sshll.u32 s26, $0x1;
	_ =	strace $0x80000046;
	[dreg:$0x1] =	wrdreg $0xFFFFFFFF  }
0xa7: {  	s28 =	simm.s32 $_size_execute0_lowered;
	s3 =	sadd.s32 s3, s5;
	[dreg:$0x0] =	wrdreg $0x0  }
0xa8: {  	s5 =	sshll.u32 s28, $0x1;
	[dreg:$0x2] =	wrdreg s3  }
0xa9: {  	[dreg:$0x3] =	wrdreg s5  }
0xaa: {  	[dreg:$0x4] =	wrdreg $0xC0  }
0xab: {  	_ =	task [dreg:s7], $0x5FFFF  }
0xac: {  	[dreg:$0x1] =	wrdreg $0xFFFFFFFF  }
0xad: {  	[dreg:$0x0] =	wrdreg $0x60  }
0xae: {  	[dreg:$0x2] =	wrdreg s24  }
0xaf: {  	[dreg:$0x3] =	wrdreg s2  }
0xb0: {  	[dreg:$0x4] =	wrdreg $0x9  }
0xb1: {  	_ =	task.clear_ibuf [dreg:s7], $0x5FFFF;
	_ =	strace $0x90000046  }
0xb2: {  	s29 =	simm.s32 $0x9;
	_ =	strace $0x80000048  }
0xb3: {  	_ =	swait.ge [sflag:s29], $0x1  }
0xb4: {  	[sflag:s29] =	ssyncadd.s32 $0xFFFFFFFF  }
0xb5: {  	_ =	strace $0x90000048  }
0xb6: {  	_ =	sfence  }
0xb7: {  	s30 =	sld [smem:$0x0];
	_ =	sdelay $0x2  }
0xb8: {  	s31 =	sshll.u32 s1, $0xD;
	s1 =	sshrl.u32 s1, $0x2  }
0xb9: {  	s3 =	sand.u32 $0x4000, s31;
	s1 =	sadd.s32 s1, s30  }
0xba: {  	s0 =	sor.u32 s3, s0;
	s1 =	sshll.u32 s1, $0x11  }
0xbb: {  	s0 =	sor.u32 s1, s0  }
0xbc: {  	s0 =	sadd.s32 $0x8F2B, s0  }
0xbd: {  	[sflag:s0] =	ssyncadd.remote.s32 $0x1  }
0xbe: {  	_ =	sfence.sel $0xFFFF  }
0xbf: {  	[dreg:$0x0] =	wrdreg $0xFFFFFFFF;
	(pc) =	sbr.abs _section_cstart, $3  }
0xc0: {  	[dreg:$0x1] =	wrdreg $0xFFFFFFFF  }
0xc1: {  	_ =	task.clear_ibuf [dreg:s7], $0x2FFFF;
	_ =	strace $0x9FFFFFFF  }
0xc2: {  	(tm) =	ssettm $0x7FFFFFFF  }
0xc3: {  	_ =	shalt  }
tec
execute0_lowered:
.L_overlay_start_1:
0x0: {  	(tag) =	ssettag $0x1  }
0x1: {  	s4 =	rddreg [dreg:$0x0]  }
0x2: {  	s1 =	srdreg.scid;
	s0 =	stileid.u32  }
0x3: {  	s5 =	rddreg [dreg:$0x1];
	s2 =	simm.s32 $0x0;
	s12 =	simm.s32 $0x80  }
0x4: {  	s13 =	simm.s32 $0x11980;
	s14 =	simm.s32 $0x1900;
	s15 =	simm.s32 $0x1  }
0x5: {  	s16 =	simm.s32 $0x2;
	s6 =	sand.u32 $0x1, s1;
	s1 =	rddreg [dreg:$0x2]  }
0x6: {  	s17 =	simm.s32 $0x0;
	s3 =	sshll.u32 s0, $0x1;
	[smem:$0x7FF] =	sst s2  }
0x7: {  	s7 =	sor.u32 s6, s3;
	_ =	strace $0x80000047;
	s6 =	ssub.s32 $0x2, s6  }
0x8: {  	s3 =	smul.u32 $0x320, s7;
	s9 =	sshll.u32 s7, $0xE;
	s10 =	sshll.u32 s7, $0xC  }
0x9: {  	s31 =	sshrl.u32 s6, $0x1;
	s7 =	sshll.u32 s7, $0x4;
	s9 =	sadd.s32 s9, s4  }
0xa: {  	v2 =	vlaneseq.u32;
	s10 =	sadd.s32 s10, s4;
	s11 =	ssub.s32 s6, s31;
	s8 =	sadd.s32 s3, s4  }
0xb: {  	v0 =	vmul.u32 $0x400, v2;
	s3 =	sadd.s32 $0x9000, s4;
	s4 =	sadd.s32 s5, s7;
	s6 =	sadd.s32 $0x31000, s9  }
0xc: {  	v1 =	vimm.f32 $0.0e+00;
	v3 =	vimm.f32 $1.000000000e+00;
	v2 =	vmul.u32 $0x32, v2;
	s7 =	sadd.s32 $0x33000, s9;
	s9 =	smax.u32 s11, $0x1;
	s11 =	simm.s32 $0x3  }
0xd: {  	v4 =	vor.u32 $0x4000, v0;
	v5 =	vor.u32 $0x8000, v0;
	v6 =	vor.u32 $0xC000, v0;
	s5 =	sadd.s32 $0x2C00, s8;
	s8 =	sadd.s32 $0x11000, s10;
	s10 =	simm.s32 $0x11900  }
.LBB2_1:
0xe: {  	[tilespmem:s10], [sflag:$0x3] =	stream.linear.gather [hbm4b:s4+s2], $0x80, $0x38;
	[tilespmem:$0x19980] =	vst v63  }
0xf: {  	_ =	swait.ge [sflag:s11], $0x80  }
0x10: {  	[sflag:s11] =	ssyncset.done $0x0  }
0x11: {  	[sflag:s11] =	ssyncadd.s32 $0xFFFFFF80  }
0x12: {  	[tilespmem:s13], [sflag:$0x2] =	stream.indirect.gather [hbm4b:s3+s12], $0x100, s10, s12, $0xb8;
	[tilespmem:$0x19980] =	vst v63  }
0x13: {  	_ = 	snop  }
0x14: {  	[tilespmem:s2], [sflag:$0x3] =	stream.linear.gather [hbm4b:s5+s2], $0x1900, $0x38;
	[tilespmem:$0x19980] =	vst v63  }
0x15: {  	_ =	swait.ge [sflag:s11], $0x1900  }
0x16: {  	[sflag:s11] =	ssyncset.done $0x0  }
0x17: {  	s18 =	simm.s32 $0x0;
	s19 =	simm.s32 $0x1000;
	[sflag:s11] =	ssyncadd.s32 $0xFFFFE700  }
.LBB2_2:
0x18: {  	p0 =	sne.s32 s19, $0x3F000;
	[tilespmem:s18+$0x1CF0] =	vst v1  }
0x19: {  	[tilespmem:s18+$0x1900] =	vst v1  }
0x1a: {  	[tilespmem:s18+$0x1910] =	vst v1  }
0x1b: {  	[tilespmem:s18+$0x1920] =	vst v1  }
0x1c: {  	[tilespmem:s18+$0x1930] =	vst v1  }
0x1d: {  	[tilespmem:s18+$0x1940] =	vst v1  }
0x1e: {  	[tilespmem:s18+$0x1950] =	vst v1  }
0x1f: {  	[tilespmem:s18+$0x1960] =	vst v1  }
0x20: {  	[tilespmem:s18+$0x1970] =	vst v1  }
0x21: {  	[tilespmem:s18+$0x1980] =	vst v1  }
0x22: {  	[tilespmem:s18+$0x1990] =	vst v1  }
0x23: {  	[tilespmem:s18+$0x19A0] =	vst v1  }
0x24: {  	[tilespmem:s18+$0x19B0] =	vst v1  }
0x25: {  	[tilespmem:s18+$0x19C0] =	vst v1  }
0x26: {  	[tilespmem:s18+$0x19D0] =	vst v1  }
0x27: {  	[tilespmem:s18+$0x19E0] =	vst v1  }
0x28: {  	[tilespmem:s18+$0x19F0] =	vst v1  }
0x29: {  	[tilespmem:s18+$0x1A00] =	vst v1  }
0x2a: {  	[tilespmem:s18+$0x1A10] =	vst v1  }
0x2b: {  	[tilespmem:s18+$0x1A20] =	vst v1  }
0x2c: {  	[tilespmem:s18+$0x1A30] =	vst v1  }
0x2d: {  	[tilespmem:s18+$0x1A40] =	vst v1  }
0x2e: {  	[tilespmem:s18+$0x1A50] =	vst v1  }
0x2f: {  	[tilespmem:s18+$0x1A60] =	vst v1  }
0x30: {  	[tilespmem:s18+$0x1A70] =	vst v1  }
0x31: {  	[tilespmem:s18+$0x1A80] =	vst v1  }
0x32: {  	[tilespmem:s18+$0x1A90] =	vst v1  }
0x33: {  	[tilespmem:s18+$0x1AA0] =	vst v1  }
0x34: {  	[tilespmem:s18+$0x1AB0] =	vst v1  }
0x35: {  	[tilespmem:s18+$0x1AC0] =	vst v1  }
0x36: {  	[tilespmem:s18+$0x1AD0] =	vst v1  }
0x37: {  	[tilespmem:s18+$0x1AE0] =	vst v1  }
0x38: {  	[tilespmem:s18+$0x1AF0] =	vst v1  }
0x39: {  	[tilespmem:s18+$0x1B00] =	vst v1  }
0x3a: {  	[tilespmem:s18+$0x1B10] =	vst v1  }
0x3b: {  	[tilespmem:s18+$0x1B20] =	vst v1  }
0x3c: {  	[tilespmem:s18+$0x1B30] =	vst v1  }
0x3d: {  	[tilespmem:s18+$0x1B40] =	vst v1  }
0x3e: {  	[tilespmem:s18+$0x1B50] =	vst v1  }
0x3f: {  	[tilespmem:s18+$0x1B60] =	vst v1  }
0x40: {  	[tilespmem:s18+$0x1B70] =	vst v1  }
0x41: {  	[tilespmem:s18+$0x1B80] =	vst v1  }
0x42: {  	[tilespmem:s18+$0x1B90] =	vst v1  }
0x43: {  	[tilespmem:s18+$0x1BA0] =	vst v1  }
0x44: {  	[tilespmem:s18+$0x1BB0] =	vst v1  }
0x45: {  	[tilespmem:s18+$0x1BC0] =	vst v1  }
0x46: {  	[tilespmem:s18+$0x1BD0] =	vst v1  }
0x47: {  	[tilespmem:s18+$0x1BE0] =	vst v1  }
0x48: {  	[tilespmem:s18+$0x1BF0] =	vst v1  }
0x49: {  	[tilespmem:s18+$0x1C00] =	vst v1  }
0x4a: {  	[tilespmem:s18+$0x1C10] =	vst v1  }
0x4b: {  	[tilespmem:s18+$0x1C20] =	vst v1  }
0x4c: {  	[tilespmem:s18+$0x1C30] =	vst v1  }
0x4d: {  	[tilespmem:s18+$0x1C40] =	vst v1  }
0x4e: {  	[tilespmem:s18+$0x1C50] =	vst v1  }
0x4f: {  	[tilespmem:s18+$0x1C60] =	vst v1  }
0x50: {  	[tilespmem:s18+$0x1C70] =	vst v1  }
0x51: {  	[tilespmem:s18+$0x1C80] =	vst v1  }
0x52: {  	[tilespmem:s18+$0x1C90] =	vst v1  }
.Ltmp0:
0x53: {  	[tilespmem:s18+$0x1CA0] =	vst v1;
	(pc) =	sbr.rel @p0 .LBB2_2-.Ltmp0, $4  }
0x54: {  	[tilespmem:s18+$0x1CB0] =	vst v1  }
0x55: {  	[tilespmem:s18+$0x1CC0] =	vst v1  }
0x56: {  	[tilespmem:s18+$0x1CD0] =	vst v1  }
0x57: {  	[tilespmem:s18+$0x1CE0] =	vst v1;
	s18 =	sshra.s32 s19, $0x2;
	s19 =	sadd.s32 $0x1000, s19  }
0x58: {  	[tilespmem:s18+$0x1CF0] =	vst v1  }
0x59: {  	[tilespmem:s18+$0x1900] =	vst v1  }
0x5a: {  	[tilespmem:s18+$0x1910] =	vst v1  }
0x5b: {  	[tilespmem:s18+$0x1920] =	vst v1  }
0x5c: {  	[tilespmem:s18+$0x1930] =	vst v1  }
0x5d: {  	[tilespmem:s18+$0x1940] =	vst v1  }
0x5e: {  	[tilespmem:s18+$0x1950] =	vst v1  }
0x5f: {  	[tilespmem:s18+$0x1960] =	vst v1  }
0x60: {  	[tilespmem:s18+$0x1970] =	vst v1  }
0x61: {  	[tilespmem:s18+$0x1980] =	vst v1  }
0x62: {  	[tilespmem:s18+$0x1990] =	vst v1  }
0x63: {  	[tilespmem:s18+$0x19A0] =	vst v1  }
0x64: {  	[tilespmem:s18+$0x19B0] =	vst v1  }
0x65: {  	[tilespmem:s18+$0x19C0] =	vst v1  }
0x66: {  	[tilespmem:s18+$0x19D0] =	vst v1  }
0x67: {  	[tilespmem:s18+$0x19E0] =	vst v1  }
0x68: {  	[tilespmem:s18+$0x19F0] =	vst v1  }
0x69: {  	[tilespmem:s18+$0x1A00] =	vst v1  }
0x6a: {  	[tilespmem:s18+$0x1A10] =	vst v1  }
0x6b: {  	[tilespmem:s18+$0x1A20] =	vst v1  }
0x6c: {  	[tilespmem:s18+$0x1A30] =	vst v1  }
0x6d: {  	[tilespmem:s18+$0x1A40] =	vst v1  }
0x6e: {  	[tilespmem:s18+$0x1A50] =	vst v1  }
0x6f: {  	[tilespmem:s18+$0x1A60] =	vst v1  }
0x70: {  	[tilespmem:s18+$0x1A70] =	vst v1  }
0x71: {  	[tilespmem:s18+$0x1A80] =	vst v1  }
0x72: {  	[tilespmem:s18+$0x1A90] =	vst v1  }
0x73: {  	[tilespmem:s18+$0x1AA0] =	vst v1  }
0x74: {  	[tilespmem:s18+$0x1AB0] =	vst v1  }
0x75: {  	[tilespmem:s18+$0x1AC0] =	vst v1  }
0x76: {  	[tilespmem:s18+$0x1AD0] =	vst v1  }
0x77: {  	[tilespmem:s18+$0x1AE0] =	vst v1  }
0x78: {  	[tilespmem:s18+$0x1AF0] =	vst v1  }
0x79: {  	[tilespmem:s18+$0x1B00] =	vst v1  }
0x7a: {  	[tilespmem:s18+$0x1B10] =	vst v1  }
0x7b: {  	[tilespmem:s18+$0x1B20] =	vst v1  }
0x7c: {  	[tilespmem:s18+$0x1B30] =	vst v1  }
0x7d: {  	[tilespmem:s18+$0x1B40] =	vst v1  }
0x7e: {  	[tilespmem:s18+$0x1B50] =	vst v1  }
0x7f: {  	[tilespmem:s18+$0x1B60] =	vst v1  }
0x80: {  	[tilespmem:s18+$0x1B70] =	vst v1  }
0x81: {  	[tilespmem:s18+$0x1B80] =	vst v1  }
0x82: {  	[tilespmem:s18+$0x1B90] =	vst v1  }
0x83: {  	[tilespmem:s18+$0x1BA0] =	vst v1  }
0x84: {  	[tilespmem:s18+$0x1BB0] =	vst v1  }
0x85: {  	[tilespmem:s18+$0x1BC0] =	vst v1  }
0x86: {  	[tilespmem:s18+$0x1BD0] =	vst v1  }
0x87: {  	[tilespmem:s18+$0x1BE0] =	vst v1  }
0x88: {  	[tilespmem:s18+$0x1BF0] =	vst v1  }
0x89: {  	[tilespmem:s18+$0x1C00] =	vst v1  }
0x8a: {  	[tilespmem:s18+$0x1C10] =	vst v1  }
0x8b: {  	[tilespmem:s18+$0x1C20] =	vst v1  }
0x8c: {  	[tilespmem:s18+$0x1C30] =	vst v1  }
0x8d: {  	[tilespmem:s18+$0x1C40] =	vst v1  }
0x8e: {  	[tilespmem:s18+$0x1C50] =	vst v1  }
0x8f: {  	[tilespmem:s18+$0x1C60] =	vst v1  }
0x90: {  	[tilespmem:s18+$0x1C70] =	vst v1  }
0x91: {  	[tilespmem:s18+$0x1C80] =	vst v1  }
0x92: {  	[tilespmem:s18+$0x1C90] =	vst v1  }
0x93: {  	[tilespmem:s18+$0x1CA0] =	vst v1  }
0x94: {  	[tilespmem:s18+$0x1CB0] =	vst v1  }
0x95: {  	[tilespmem:s18+$0x1CC0] =	vst v1  }
0x96: {  	[tilespmem:s18+$0x1CD0] =	vst v1  }
0x97: {  	[tilespmem:s18+$0x1CE0] =	vst v1;
	s18 =	simm.s32 $0x0  }
.LBB2_4:
0x98: {  	v7 =	vadd.s32 s18, v2;
	_ =	sdelay $0x4  }
0x99: {  	v7 =	vld.idx.msk [tilespmem:v7+s2+$0x0], $0xffff;
	_ =	sdelay $0x4  }
0x9a: {  	s19 =	sadd.s32 $0x320, s18;
	v7 =	vadd.s32 v0, v7  }
0x9b: {  	v8 =	vadd.s32 s19, v2;
	_ =	sdelay $0x3  }
0x9c: {  	[tilespmem:v7+s14+$0x0] =	vst.idx.add.f32.msk $0xffff, v3  }
0x9d: {  	v7 =	vld.idx.msk [tilespmem:v8+s2+$0x0], $0xffff;
	_ =	sdelay $0x4  }
0x9e: {  	s30 =	sadd.s32 $0x640, s18;
	v7 =	vadd.s32 v4, v7  }
0x9f: {  	v8 =	vadd.s32 s30, v2;
	_ =	sdelay $0x3  }
0xa0: {  	[tilespmem:v7+s14+$0x0] =	vst.idx.add.f32.msk $0xffff, v3  }
0xa1: {  	v7 =	vld.idx.msk [tilespmem:v8+s2+$0x0], $0xffff;
	_ =	sdelay $0x4  }
0xa2: {  	s31 =	sadd.s32 $0x960, s18;
	v7 =	vadd.s32 v5, v7  }
0xa3: {  	v8 =	vadd.s32 s31, v2;
	_ =	sdelay $0x3  }
0xa4: {  	[tilespmem:v7+s14+$0x0] =	vst.idx.add.f32.msk $0xffff, v3  }
0xa5: {  	v7 =	vld.idx.msk [tilespmem:v8+s2+$0x0], $0xffff;
	_ =	sdelay $0x4  }
0xa6: {  	p0 =	sne.s32 s18, $0x31;
	v7 =	vadd.s32 v6, v7  }
.Ltmp1:
0xa7: {  	_ = 	snop;
	(pc) =	sbr.rel @p0 .LBB2_4-.Ltmp1, $2  }
0xa8: {  	_ =	sdelay $0x2  }
0xa9: {  	s18 =	sadd.s32 $0x1, s18;
	[tilespmem:v7+s14+$0x0] =	vst.idx.add.f32.msk $0xffff, v3  }
0xaa: {  	s18 =	simm.s32 $0x0  }
0xab: {  	[hbm4b:s6+s18] =	stream.linear.scatter [tilespmem:s14], [sflag:$0x1], $0x10000, $0x38;
	[tilespmem:$0x19980] =	vst v63  }
0xac: {  	_ =	swait.ge [sflag:s15], $0x10000  }
0xad: {  	[sflag:s15] =	ssyncset.done $0x0  }
0xae: {  	s19 =	simm.s32 $0x1000;
	s18 =	simm.s32 $0x0;
	[sflag:s15] =	ssyncadd.s32 $0xFFFF0000  }
.LBB2_6:
0xaf: {  	p0 =	sne.s32 s19, $0x3F000;
	[tilespmem:s18+$0x1CF0] =	vst v1  }
0xb0: {  	[tilespmem:s18+$0x1900] =	vst v1  }
0xb1: {  	[tilespmem:s18+$0x1910] =	vst v1  }
0xb2: {  	[tilespmem:s18+$0x1920] =	vst v1  }
0xb3: {  	[tilespmem:s18+$0x1930] =	vst v1  }
0xb4: {  	[tilespmem:s18+$0x1940] =	vst v1  }
0xb5: {  	[tilespmem:s18+$0x1950] =	vst v1  }
0xb6: {  	[tilespmem:s18+$0x1960] =	vst v1  }
0xb7: {  	[tilespmem:s18+$0x1970] =	vst v1  }
0xb8: {  	[tilespmem:s18+$0x1980] =	vst v1  }
0xb9: {  	[tilespmem:s18+$0x1990] =	vst v1  }
0xba: {  	[tilespmem:s18+$0x19A0] =	vst v1  }
0xbb: {  	[tilespmem:s18+$0x19B0] =	vst v1  }
0xbc: {  	[tilespmem:s18+$0x19C0] =	vst v1  }
0xbd: {  	[tilespmem:s18+$0x19D0] =	vst v1  }
0xbe: {  	[tilespmem:s18+$0x19E0] =	vst v1  }
0xbf: {  	[tilespmem:s18+$0x19F0] =	vst v1  }
0xc0: {  	[tilespmem:s18+$0x1A00] =	vst v1  }
0xc1: {  	[tilespmem:s18+$0x1A10] =	vst v1  }
0xc2: {  	[tilespmem:s18+$0x1A20] =	vst v1  }
0xc3: {  	[tilespmem:s18+$0x1A30] =	vst v1  }
0xc4: {  	[tilespmem:s18+$0x1A40] =	vst v1  }
0xc5: {  	[tilespmem:s18+$0x1A50] =	vst v1  }
0xc6: {  	[tilespmem:s18+$0x1A60] =	vst v1  }
0xc7: {  	[tilespmem:s18+$0x1A70] =	vst v1  }
0xc8: {  	[tilespmem:s18+$0x1A80] =	vst v1  }
0xc9: {  	[tilespmem:s18+$0x1A90] =	vst v1  }
0xca: {  	[tilespmem:s18+$0x1AA0] =	vst v1  }
0xcb: {  	[tilespmem:s18+$0x1AB0] =	vst v1  }
0xcc: {  	[tilespmem:s18+$0x1AC0] =	vst v1  }
0xcd: {  	[tilespmem:s18+$0x1AD0] =	vst v1  }
0xce: {  	[tilespmem:s18+$0x1AE0] =	vst v1  }
0xcf: {  	[tilespmem:s18+$0x1AF0] =	vst v1  }
0xd0: {  	[tilespmem:s18+$0x1B00] =	vst v1  }
0xd1: {  	[tilespmem:s18+$0x1B10] =	vst v1  }
0xd2: {  	[tilespmem:s18+$0x1B20] =	vst v1  }
0xd3: {  	[tilespmem:s18+$0x1B30] =	vst v1  }
0xd4: {  	[tilespmem:s18+$0x1B40] =	vst v1  }
0xd5: {  	[tilespmem:s18+$0x1B50] =	vst v1  }
0xd6: {  	[tilespmem:s18+$0x1B60] =	vst v1  }
0xd7: {  	[tilespmem:s18+$0x1B70] =	vst v1  }
0xd8: {  	[tilespmem:s18+$0x1B80] =	vst v1  }
0xd9: {  	[tilespmem:s18+$0x1B90] =	vst v1  }
0xda: {  	[tilespmem:s18+$0x1BA0] =	vst v1  }
0xdb: {  	[tilespmem:s18+$0x1BB0] =	vst v1  }
0xdc: {  	[tilespmem:s18+$0x1BC0] =	vst v1  }
0xdd: {  	[tilespmem:s18+$0x1BD0] =	vst v1  }
0xde: {  	[tilespmem:s18+$0x1BE0] =	vst v1  }
0xdf: {  	[tilespmem:s18+$0x1BF0] =	vst v1  }
0xe0: {  	[tilespmem:s18+$0x1C00] =	vst v1  }
0xe1: {  	[tilespmem:s18+$0x1C10] =	vst v1  }
0xe2: {  	[tilespmem:s18+$0x1C20] =	vst v1  }
0xe3: {  	[tilespmem:s18+$0x1C30] =	vst v1  }
0xe4: {  	[tilespmem:s18+$0x1C40] =	vst v1  }
0xe5: {  	[tilespmem:s18+$0x1C50] =	vst v1  }
0xe6: {  	[tilespmem:s18+$0x1C60] =	vst v1  }
0xe7: {  	[tilespmem:s18+$0x1C70] =	vst v1  }
0xe8: {  	[tilespmem:s18+$0x1C80] =	vst v1  }
0xe9: {  	[tilespmem:s18+$0x1C90] =	vst v1  }
.Ltmp2:
0xea: {  	[tilespmem:s18+$0x1CA0] =	vst v1;
	(pc) =	sbr.rel @p0 .LBB2_6-.Ltmp2, $4  }
0xeb: {  	[tilespmem:s18+$0x1CB0] =	vst v1  }
0xec: {  	[tilespmem:s18+$0x1CC0] =	vst v1  }
0xed: {  	[tilespmem:s18+$0x1CD0] =	vst v1  }
0xee: {  	[tilespmem:s18+$0x1CE0] =	vst v1;
	s18 =	sshra.s32 s19, $0x2;
	s19 =	sadd.s32 $0x1000, s19  }
0xef: {  	[tilespmem:s18+$0x1CF0] =	vst v1  }
0xf0: {  	[tilespmem:s18+$0x1900] =	vst v1  }
0xf1: {  	[tilespmem:s18+$0x1910] =	vst v1  }
0xf2: {  	[tilespmem:s18+$0x1920] =	vst v1  }
0xf3: {  	[tilespmem:s18+$0x1930] =	vst v1  }
0xf4: {  	[tilespmem:s18+$0x1940] =	vst v1  }
0xf5: {  	[tilespmem:s18+$0x1950] =	vst v1  }
0xf6: {  	[tilespmem:s18+$0x1960] =	vst v1  }
0xf7: {  	[tilespmem:s18+$0x1970] =	vst v1  }
0xf8: {  	[tilespmem:s18+$0x1980] =	vst v1  }
0xf9: {  	[tilespmem:s18+$0x1990] =	vst v1  }
0xfa: {  	[tilespmem:s18+$0x19A0] =	vst v1  }
0xfb: {  	[tilespmem:s18+$0x19B0] =	vst v1  }
0xfc: {  	[tilespmem:s18+$0x19C0] =	vst v1  }
0xfd: {  	[tilespmem:s18+$0x19D0] =	vst v1  }
0xfe: {  	[tilespmem:s18+$0x19E0] =	vst v1  }
0xff: {  	[tilespmem:s18+$0x19F0] =	vst v1  }
0x100: {  	[tilespmem:s18+$0x1A00] =	vst v1  }
0x101: {  	[tilespmem:s18+$0x1A10] =	vst v1  }
0x102: {  	[tilespmem:s18+$0x1A20] =	vst v1  }
0x103: {  	[tilespmem:s18+$0x1A30] =	vst v1  }
0x104: {  	[tilespmem:s18+$0x1A40] =	vst v1  }
0x105: {  	[tilespmem:s18+$0x1A50] =	vst v1  }
0x106: {  	[tilespmem:s18+$0x1A60] =	vst v1  }
0x107: {  	[tilespmem:s18+$0x1A70] =	vst v1  }
0x108: {  	[tilespmem:s18+$0x1A80] =	vst v1  }
0x109: {  	[tilespmem:s18+$0x1A90] =	vst v1  }
0x10a: {  	[tilespmem:s18+$0x1AA0] =	vst v1  }
0x10b: {  	[tilespmem:s18+$0x1AB0] =	vst v1  }
0x10c: {  	[tilespmem:s18+$0x1AC0] =	vst v1  }
0x10d: {  	[tilespmem:s18+$0x1AD0] =	vst v1  }
0x10e: {  	[tilespmem:s18+$0x1AE0] =	vst v1  }
0x10f: {  	[tilespmem:s18+$0x1AF0] =	vst v1  }
0x110: {  	[tilespmem:s18+$0x1B00] =	vst v1  }
0x111: {  	[tilespmem:s18+$0x1B10] =	vst v1  }
0x112: {  	[tilespmem:s18+$0x1B20] =	vst v1  }
0x113: {  	[tilespmem:s18+$0x1B30] =	vst v1  }
0x114: {  	[tilespmem:s18+$0x1B40] =	vst v1  }
0x115: {  	[tilespmem:s18+$0x1B50] =	vst v1  }
0x116: {  	[tilespmem:s18+$0x1B60] =	vst v1  }
0x117: {  	[tilespmem:s18+$0x1B70] =	vst v1  }
0x118: {  	[tilespmem:s18+$0x1B80] =	vst v1  }
0x119: {  	[tilespmem:s18+$0x1B90] =	vst v1  }
0x11a: {  	[tilespmem:s18+$0x1BA0] =	vst v1  }
0x11b: {  	[tilespmem:s18+$0x1BB0] =	vst v1  }
0x11c: {  	[tilespmem:s18+$0x1BC0] =	vst v1  }
0x11d: {  	[tilespmem:s18+$0x1BD0] =	vst v1  }
0x11e: {  	[tilespmem:s18+$0x1BE0] =	vst v1  }
0x11f: {  	[tilespmem:s18+$0x1BF0] =	vst v1  }
0x120: {  	[tilespmem:s18+$0x1C00] =	vst v1  }
0x121: {  	[tilespmem:s18+$0x1C10] =	vst v1  }
0x122: {  	[tilespmem:s18+$0x1C20] =	vst v1  }
0x123: {  	[tilespmem:s18+$0x1C30] =	vst v1  }
0x124: {  	[tilespmem:s18+$0x1C40] =	vst v1  }
0x125: {  	[tilespmem:s18+$0x1C50] =	vst v1  }
0x126: {  	[tilespmem:s18+$0x1C60] =	vst v1  }
0x127: {  	[tilespmem:s18+$0x1C70] =	vst v1  }
0x128: {  	[tilespmem:s18+$0x1C80] =	vst v1  }
0x129: {  	[tilespmem:s18+$0x1C90] =	vst v1  }
0x12a: {  	[tilespmem:s18+$0x1CA0] =	vst v1  }
0x12b: {  	[tilespmem:s18+$0x1CB0] =	vst v1  }
0x12c: {  	[tilespmem:s18+$0x1CC0] =	vst v1  }
0x12d: {  	[tilespmem:s18+$0x1CD0] =	vst v1  }
0x12e: {  	[tilespmem:s18+$0x1CE0] =	vst v1;
	s18 =	simm.s32 $0xC80  }
.LBB2_8:
0x12f: {  	v7 =	vadd.s32 s18, v2;
	_ =	sdelay $0x4  }
0x130: {  	v7 =	vld.idx.msk [tilespmem:v7+s2+$0x0], $0xffff;
	_ =	sdelay $0x4  }
0x131: {  	s19 =	sadd.s32 $0x320, s18;
	v7 =	vadd.s32 v0, v7  }
0x132: {  	v8 =	vadd.s32 s19, v2;
	_ =	sdelay $0x3  }
0x133: {  	[tilespmem:v7+s14+$0x0] =	vst.idx.add.f32.msk $0xffff, v3  }
0x134: {  	v7 =	vld.idx.msk [tilespmem:v8+s2+$0x0], $0xffff;
	_ =	sdelay $0x4  }
0x135: {  	s30 =	sadd.s32 $0x640, s18;
	v7 =	vadd.s32 v4, v7  }
0x136: {  	v8 =	vadd.s32 s30, v2;
	_ =	sdelay $0x3  }
0x137: {  	[tilespmem:v7+s14+$0x0] =	vst.idx.add.f32.msk $0xffff, v3  }
0x138: {  	v7 =	vld.idx.msk [tilespmem:v8+s2+$0x0], $0xffff;
	_ =	sdelay $0x4  }
0x139: {  	s31 =	sadd.s32 $0x960, s18;
	v7 =	vadd.s32 v5, v7  }
0x13a: {  	v8 =	vadd.s32 s31, v2;
	_ =	sdelay $0x3  }
0x13b: {  	[tilespmem:v7+s14+$0x0] =	vst.idx.add.f32.msk $0xffff, v3  }
0x13c: {  	v7 =	vld.idx.msk [tilespmem:v8+s2+$0x0], $0xffff;
	_ =	sdelay $0x4  }
0x13d: {  	p0 =	sne.s32 s18, $0xCB1;
	v7 =	vadd.s32 v6, v7  }
.Ltmp3:
0x13e: {  	_ = 	snop;
	(pc) =	sbr.rel @p0 .LBB2_8-.Ltmp3, $2  }
0x13f: {  	_ =	sdelay $0x2  }
0x140: {  	s18 =	sadd.s32 $0x1, s18;
	[tilespmem:v7+s14+$0x0] =	vst.idx.add.f32.msk $0xffff, v3  }
0x141: {  	[hbm4b:s7+s2] =	stream.linear.scatter [tilespmem:s14], [sflag:$0x1], $0x10000, $0x38;
	[tilespmem:$0x19980] =	vst v63  }
0x142: {  	_ =	swait.ge [sflag:s15], $0x10000  }
0x143: {  	[sflag:s15] =	ssyncset.done $0x0  }
0x144: {  	[sflag:s15] =	ssyncadd.s32 $0xFFFF0000  }
0x145: {  	s17 =	sadd.s32 $0x1, s17;
	_ =	swait.ge [sflag:s16], $0x8000  }
0x146: {  	p0 =	sne.s32 s17, s9;
	[sflag:s16] =	ssyncset.done $0x0  }
.Ltmp4:
0x147: {  	[sflag:s16] =	ssyncadd.s32 $0xFFFF8000;
	(pc) =	sbr.rel @p0 .LBB2_1-.Ltmp4, $4  }
0x148: {  	[hbm4b:s8+s2] =	stream.linear.scatter [tilespmem:s13], [sflag:$0x3], $0x8000, $0x38;
	[tilespmem:$0x19980] =	vst v63  }
0x149: {  	_ =	swait.ge [sflag:s11], $0x8000  }
0x14a: {  	[sflag:s11] =	ssyncset.done $0x0  }
0x14b: {  	[sflag:s11] =	ssyncadd.s32 $0xFFFF8000  }
0x14c: {  	_ =	sfence.sel $0x180000  }
0x14d: {  	[bflag:$0x0] =	sbarrier.arrive $0xFFFF  }
0x14e: {  	p0 =	sne.s32 s0, $0x0;
	_ =	strace $0x90000047  }
0x14f: {  	s0 =	sadd.s32 @!p0 $0x100000, s1;
	[bflag:$0x2] =	sbarrier.arrive $0xFFFF  }
0x150: {  	[sflag:s0] =	ssyncadd.tile.s32 @!p0 $0x1;
	_ =	shalt  }
.Lfunc_end2:
_tile_overlayer_lowered:
.L_overlay_start_2:
0x151: {  	(tag) =	ssettag $0x2  }
0x152: {  	s0 =	rddreg [dreg:$0x0];
	s2 =	stileid.u32  }
0x153: {  	s1 =	rddreg [dreg:$0x1];
	p0 =	sne.s32 s2, $0x0  }
0x154: {  	s3 =	rddreg [dreg:$0x2];
	[bflag:$0x3] =	sbarrier.arrive $0xFFFF;
	s2 =	simm.s32 @!p0 $0x1C03  }
0x155: {  	[timem:s3], [sflag:s2] =	dma.local @!p0 [hbm:s0], s1  }
0x156: {  	s0 =	simm.s32 @!p0 $0x3  }
0x157: {  	_ =	swait.ge @!p0 [sflag:s0], s1  }
0x158: {  	s1 =	ssub.s32 @!p0 $0x0, s1;
	[sflag:s0] =	ssyncset.done @!p0 $0x0  }
0x159: {  	[sflag:s0] =	ssyncadd.s32 @!p0 s1  }
0x15a: {  	[bflag:$0x3] =	sbarrier.arrive $0xFFFF  }
0x15b: {  	_ =	shalt  }

// kernel: kernel.9.cloned.1.call-start
scs
__scs_entry_jumppad:
0x0: {  	(pc) =	sbr.rel $0x88, $3  }
0x1: {  	(tag) =	ssettag $0x0;
	lr =	simm.s32 $0x1  }
0x2: {  	[smem:$0x3F90] =	sst lr;
	_ =	strace $0xD0000000  }
0x3: {  	_ = 	snop  }
0x4: {  	_ = 	snop  }
0x5: {  	_ = 	snop  }
0x6: {  	_ = 	snop  }
0x7: {  	_ = 	snop  }
__scs_overlays_trampoline_lowered:
0x8: {  	[smem:$0x3F9F] =	sst s0  }
0x9: {  	[smem:$0x3FA0] =	sst s1  }
0xa: {  	[smem:$0x3FA1] =	sst s2  }
0xb: {  	[smem:$0x3FA2] =	sst s3  }
0xc: {  	[smem:$0x3FA3] =	sst s4  }
0xd: {  	[smem:$0x3FA4] =	sst s5  }
0xe: {  	[smem:$0x3FA5] =	sst s6  }
0xf: {  	[smem:$0x3FA6] =	sst s7  }
0x10: {  	[smem:$0x3FA7] =	sst s8  }
0x11: {  	[smem:$0x3FA8] =	sst s9;
	s0 =	simm.s32 @!p0 $0x0  }
0x12: {  	s1 =	sld [smem:$0x3F8E];
	s0 =	simm.s32 @p0 $0x1  }
0x13: {  	[smem:$0x3FA9] =	sst s0;
	s0 =	simm.s32 @!p1 $0x0  }
0x14: {  	s2 =	sld [smem:$0x3F8D];
	s0 =	simm.s32 @p1 $0x1  }
0x15: {  	[smem:$0x3FAA] =	sst s0;
	s0 =	simm.s32 @!p2 $0x0  }
0x16: {  	s3 =	sld [smem:$0x3FDB];
	s0 =	simm.s32 @p2 $0x1  }
0x17: {  	s4 =	simm.s32 $0x1BF5;
	[smem:$0x3FAC] =	sst s0  }
0x18: {  	s0 =	sld [smem:$0x3F8F];
	_ =	swait.ge [sflag:s4], $0x0  }
0x19: {  	s7 =	sld [smem:$0x3F90]  }
0x1a: {  	s8 =	sadd.s32 $0xFFFFE003, lr  }
0x1b: {  	s9 =	sadd.s32 $0xFFFFFEF7, lr;
	s5 =	simm.s32 $0xFFFFFFFF;
	p2 =	slt.u32 s8, $0xFFFFF086  }
0x1c: {  	p1 =	slt.u32 s9, $0xF7A;
	s5 =	simm.s32 @!p2 $0x0  }
0x1d: {  	s5 =	simm.s32 @p1 $0x1;
	p0 =	seq.s32 s7, s2  }
0x1e: {  	s7 =	smul.u32 @!p0 $0xF7A, s2;
	p2 =	seq.s32 @!p0 s5, $0x0  }
0x1f: {  	s9 =	smul.u32 $0xF7A, s1;
	s8 =	simm.s32 @!p0 $0x1BF5;
	p2 =	por !p2, p0  }
0x20: {  	[sflag:s8] =	ssyncset.s32 @!p0 $0xFFFFF086;
	s6 =	sadd.s32 @!p0 s3, s7;
	s7 =	simm.s32 @!p0 $0x108  }
0x21: {  	s3 =	sadd.s32 s3, s9;
	s6 =	sadd.s32 @!p0 $0x88, s6;
	s7 =	simm.s32 @p2 $0x1082  }
0x22: {  	[simem:s7], [sflag:s8] =	dma.local @!p0 [hbm:s6], $0xF7A  }
0x23: {  	s9 =	sor.u32 $0xD0000000, s2;
	s6 =	simm.s32 $0x108;
	_ =	swait.ge @!p0 [sflag:s8], $0x0  }
0x24: {  	s3 =	sadd.s32 $0x88, s3;
	s6 =	simm.s32 @!p1 $0x1082;
	[sflag:s4] =	ssyncset.s32 $0xFFFFF086  }
0x25: {  	[simem:s6], [sflag:s4] =	dma.local [hbm:s3], $0xF7A  }
0x26: {  	[smem:$0x3F90] =	sst s1;
	(tag) =	ssettag s2;
	_ =	strace s9  }
0x27: {  	s1 =	sld [smem:$0x3FA0]  }
0x28: {  	s2 =	sld [smem:$0x3FA1]  }
0x29: {  	s4 =	sld [smem:$0x3FA3]  }
0x2a: {  	p0 =	seq.s32 s5, $0x0;
	s5 =	sld [smem:$0x3FA4]  }
0x2b: {  	s6 =	sld [smem:$0x3FA5]  }
0x2c: {  	s7 =	sld [smem:$0x3FA6]  }
0x2d: {  	s3 =	simm.s32 $0x108;
	s8 =	sld [smem:$0x3FA7]  }
0x2e: {  	s3 =	simm.s32 @!p0 $0x1082;
	s9 =	sld [smem:$0x3FA8]  }
0x2f: {  	lr =	sadd.s32 s0, s3;
	s0 =	sld [smem:$0x3F9F]  }
0x30: {  	s3 =	sld [smem:$0x3FA2]  }
0x31: {  	[smem:$0x3FAB] =	sst s10  }
0x32: {  	s10 =	sld [smem:$0x3FA9];
	_ =	sdelay $0x3  }
0x33: {  	p0 =	seq.s32 s10, $0x1;
	s10 =	sld [smem:$0x3FAB];
	_ =	sdelay $0x3  }
0x34: {  	[smem:$0x3FAB] =	sst s10  }
0x35: {  	s10 =	sld [smem:$0x3FAA];
	_ =	sdelay $0x3  }
0x36: {  	p1 =	seq.s32 s10, $0x1;
	s10 =	sld [smem:$0x3FAB];
	_ =	sdelay $0x3  }
0x37: {  	[smem:$0x3FAB] =	sst s10  }
0x38: {  	s10 =	sld [smem:$0x3FAC]  }
0x39: {  	_ = 	snop;
	(pc) =	sbr.ind lr, $3  }
0x3a: {  	_ = 	snop  }
0x3b: {  	_ = 	snop  }
0x3c: {  	p2 =	seq.s32 s10, $0x1;
	s10 =	sld [smem:$0x3FAB]  }
0x3d: {  	_ =	shalt  }
0x3e: {  	_ =	shalt  }
0x3f: {  	_ =	shalt  }
0x40: {  	_ =	shalt  }
0x41: {  	_ =	shalt  }
0x42: {  	_ =	shalt  }
0x43: {  	_ =	shalt  }
0x44: {  	_ =	shalt  }
0x45: {  	_ =	shalt  }
0x46: {  	_ =	shalt  }
0x47: {  	_ =	shalt  }
0x48: {  	_ =	shalt  }
0x49: {  	_ =	shalt  }
0x4a: {  	_ =	shalt  }
0x4b: {  	_ =	shalt  }
0x4c: {  	_ =	shalt  }
0x4d: {  	_ =	shalt  }
0x4e: {  	_ =	shalt  }
0x4f: {  	_ =	shalt  }
0x50: {  	_ =	shalt  }
0x51: {  	_ =	shalt  }
0x52: {  	_ =	shalt  }
0x53: {  	_ =	shalt  }
0x54: {  	_ =	shalt  }
0x55: {  	_ =	shalt  }
0x56: {  	_ =	shalt  }
0x57: {  	_ =	shalt  }
0x58: {  	_ =	shalt  }
0x59: {  	_ =	shalt  }
0x5a: {  	_ =	shalt  }
0x5b: {  	_ =	shalt  }
0x5c: {  	_ =	shalt  }
0x5d: {  	_ =	shalt  }
0x5e: {  	_ =	shalt  }
0x5f: {  	_ =	shalt  }
0x60: {  	_ =	shalt  }
0x61: {  	_ =	shalt  }
0x62: {  	_ =	shalt  }
0x63: {  	_ =	shalt  }
0x64: {  	_ =	shalt  }
0x65: {  	_ =	shalt  }
0x66: {  	_ =	shalt  }
0x67: {  	_ =	shalt  }
0x68: {  	_ =	shalt  }
0x69: {  	_ =	shalt  }
0x6a: {  	_ =	shalt  }
0x6b: {  	_ =	shalt  }
0x6c: {  	_ =	shalt  }
0x6d: {  	_ =	shalt  }
0x6e: {  	_ =	shalt  }
0x6f: {  	_ =	shalt  }
0x70: {  	_ =	shalt  }
0x71: {  	_ =	shalt  }
0x72: {  	_ =	shalt  }
0x73: {  	_ =	shalt  }
0x74: {  	_ =	shalt  }
0x75: {  	_ =	shalt  }
0x76: {  	_ =	shalt  }
0x77: {  	_ =	shalt  }
0x78: {  	_ =	shalt  }
0x79: {  	_ =	shalt  }
0x7a: {  	_ =	shalt  }
0x7b: {  	_ =	shalt  }
0x7c: {  	_ =	shalt  }
0x7d: {  	_ =	shalt  }
0x7e: {  	_ =	shalt  }
0x7f: {  	_ =	shalt  }
0x80: {  	_ =	shalt  }
0x81: {  	_ =	shalt  }
0x82: {  	_ =	shalt  }
0x83: {  	_ =	shalt  }
0x84: {  	_ =	shalt  }
0x85: {  	_ =	shalt  }
0x86: {  	_ =	shalt  }
0x87: {  	_ =	shalt  }
.Lfunc_end0:
.L_simem_size_0:
called_computation.1_lowered:
.L_overlay_start_0:
0x88: {  	s2 =	sld [smem:$0x3FD9]  }
0x89: {  	s3 =	sld [smem:$0x3FFE];
	_ =	sdelay $0x1  }
0x8a: {  	s1 =	srdreg.scid  }
0x8b: {  	s0 =	sand.u32 $0x1, s1  }
0x8c: {  	s17 =	sshll.u32 s0, $0xA;
	s2 =	sadd.s32 s3, s2  }
0x8d: {  	s2 =	sadd.s32 s2, s17  }
0x8e: {  	[smem:$0x3FB7] =	sst s2  }
0x8f: {  	_ = 	snop  }
0x90: {  	s18 =	sld [smem:$0x3FC9];
	(tm) =	ssettm $0x1  }
0x91: {  	s19 =	sld [smem:$0x3FFB];
	_ =	sdelay $0x3  }
0x92: {  	_ =	strace s19  }
0x93: {  	s2 =	sld [smem:$0x3FFC];
	_ =	sdelay $0x3  }
0x94: {  	_ =	strace s2  }
0x95: {  	s2 =	sld [smem:$0x3FFD];
	_ =	sdelay $0x3  }
0x96: {  	_ =	strace s2  }
0x97: {  	_ =	strace $0x8FFFFFFF  }
0x98: {  	s20 =	sld [smem:$0x3FDB];
	_ =	sdelay $0x1  }
0x99: {  	s4 =	simm.s32 $_scs_section_size  }
0x9a: {  	s5 =	simm.s32 $_size__tile_overlayer_lowered;
	s6 =	simm.s32 $_tile_overlayer_lowered  }
0x9b: {  	s7 =	simm.s32 $0x1BFF;
	s21 =	sshll.u32 s6, $0x1;
	s4 =	sadd.s32 s4, s20  }
0x9c: {  	s22 =	simm.s32 $0x0;
	s5 =	sshll.u32 s5, $0x1;
	s6 =	sadd.s32 s21, s4  }
0x9d: {  	[timem:s22], [sflag:s7] =	dma.local [hbm:s6], s5  }
0x9e: {  	_ =	swait.ge [sflag:s7], s5  }
0x9f: {  	s5 =	ssub.s32 $0x0, s5;
	[sflag:s7] =	ssyncset.done $0x0  }
0xa0: {  	[sflag:s7] =	ssyncadd.s32 s5;
	_ =	sdelay $0x1  }
0xa1: {  	s23 =	simm.s32 $0x1B8B  }
0xa2: {  	_ =	swait.ge [sflag:s23], $0x1  }
0xa3: {  	[sflag:s23] =	ssyncset.done $0x0  }
0xa4: {  	[sflag:s23] =	ssyncadd.s32 $0xFFFFFFFF  }
0xa5: {  	s5 =	sld [smem:$0x0]  }
0xa6: {  	s6 =	sand.u32 $0xFFFFFFFE, s1  }
0xa7: {  	p0 =	sne.s32 s1, s6  }
0xa8: {  	s6 =	sshll.u32 @p0 s6, $0xE  }
0xa9: {  	s6 =	sadd.s32 @p0 $0x11B8D, s6;
	s7 =	sshll.u32 @p0 s5, $0x11  }
0xaa: {  	s6 =	sor.u32 @p0 s7, s6  }
0xab: {  	[sflag:s6] =	ssyncadd.remote.s32 @p0 $0x1;
	_ =	sdelay $0x1  }
0xac: {  	s6 =	simm.s32 @p0 $0x1B8D  }
0xad: {  	_ =	swait.eq @p0 [sflag:s6], $0x1  }
0xae: {  	[sflag:s6] =	ssyncadd.s32 @p0 $0xFFFFFFFF  }
0xaf: {  	s7 =	sshll.u32 @!p0 s1, $0xE  }
0xb0: {  	s7 =	sor.u32 @!p0 $0x4000, s7;
	s6 =	simm.s32 @!p0 $0x1B8D  }
0xb1: {  	s5 =	sshll.u32 @!p0 s5, $0x11;
	s7 =	sadd.s32 @!p0 $0x11B8D, s7;
	_ =	swait.eq @!p0 [sflag:s6], $0x1  }
0xb2: {  	s5 =	sor.u32 @!p0 s5, s7;
	[sflag:s6] =	ssyncadd.s32 @!p0 $0xFFFFFFFF  }
0xb3: {  	s25 =	simm.s32 $0x1B8E;
	s24 =	sld [smem:$0x3FFE];
	[sflag:s5] =	ssyncadd.remote.s32 @!p0 $0x1  }
0xb4: {  	s26 =	simm.s32 $execute0_lowered;
	[smem:$0x3FD2] =	sst s25  }
0xb5: {  	s6 =	sshll.u32 s26, $0x1;
	_ =	strace $0x80000049;
	[dreg:$0x1] =	wrdreg $0xFFFFFFFF  }
0xb6: {  	s28 =	simm.s32 $_size_execute0_lowered;
	s4 =	sadd.s32 s4, s6;
	[dreg:$0x0] =	wrdreg $0x0  }
0xb7: {  	s6 =	sshll.u32 s28, $0x1;
	[dreg:$0x2] =	wrdreg s4  }
0xb8: {  	[dreg:$0x3] =	wrdreg s6  }
0xb9: {  	[dreg:$0x4] =	wrdreg $0xC0  }
0xba: {  	_ =	task [dreg:s22], $0x5FFFF  }
0xbb: {  	[dreg:$0x1] =	wrdreg $0xFFFFFFFF  }
0xbc: {  	[dreg:$0x0] =	wrdreg $0x60  }
0xbd: {  	[dreg:$0x2] =	wrdreg s18  }
0xbe: {  	[dreg:$0x3] =	wrdreg s24  }
0xbf: {  	[dreg:$0x4] =	wrdreg $0xA  }
0xc0: {  	_ =	task.clear_ibuf [dreg:s22], $0x5FFFF;
	_ =	strace $0x90000049  }
0xc1: {  	s29 =	simm.s32 $0xA;
	_ =	strace $0x8000004B  }
0xc2: {  	_ =	swait.ge [sflag:s29], $0x1  }
0xc3: {  	[sflag:s29] =	ssyncadd.s32 $0xFFFFFFFF  }
0xc4: {  	_ =	strace $0x9000004B  }
0xc5: {  	_ =	sfence  }
0xc6: {  	s30 =	sld [smem:$0x0];
	_ =	sdelay $0x2  }
0xc7: {  	s31 =	sshll.u32 s1, $0xD;
	s1 =	sshrl.u32 s1, $0x2  }
0xc8: {  	s4 =	sand.u32 $0x4000, s31;
	s1 =	sadd.s32 s1, s30  }
0xc9: {  	s0 =	sor.u32 s4, s0;
	s1 =	sshll.u32 s1, $0x11  }
0xca: {  	s0 =	sor.u32 s1, s0  }
0xcb: {  	s0 =	sadd.s32 $0x8F2B, s0  }
0xcc: {  	[sflag:s0] =	ssyncadd.remote.s32 $0x1  }
0xcd: {  	_ =	sfence.sel $0xFFFF  }
0xce: {  	[dreg:$0x0] =	wrdreg $0xFFFFFFFF;
	(pc) =	sbr.abs _section_cstart, $3  }
0xcf: {  	[dreg:$0x1] =	wrdreg $0xFFFFFFFF  }
0xd0: {  	_ =	task.clear_ibuf [dreg:s22], $0x2FFFF;
	_ =	strace $0x9FFFFFFF  }
0xd1: {  	(tm) =	ssettm $0x7FFFFFFF  }
tec
execute0_lowered:
.L_overlay_start_1:
0x0: {  	(tag) =	ssettag $0x1  }
0x1: {  	s1 =	srdreg.scid  }
0x2: {  	s3 =	rddreg [dreg:$0x0];
	s0 =	stileid.u32;
	s5 =	sand.u32 $0x1, s1  }
0x3: {  	s6 =	rddreg [dreg:$0x1];
	s4 =	sshll.u32 s0, $0x8;
	s7 =	sshll.u32 s5, $0x7  }
0x4: {  	s2 =	simm.s32 $0x0;
	s1 =	rddreg [dreg:$0x2];
	s7 =	sor.u32 s7, s4  }
0x5: {  	[smem:$0x7FF] =	sst s2;
	s4 =	sshrl.u32 s7, $0x3  }
0x6: {  	_ =	strace $0x8000004A;
	s4 =	sadd.s32 s3, s4;
	s3 =	simm.s32 $0x2  }
0x7: {  	[tilespmem:s2], [sflag:$0x2] =	stream.linear.gather [hbm4b:s4+s2], $0x80, $0x38;
	[tilespmem:$0x4100] =	vst v63  }
0x8: {  	_ =	swait.ge [sflag:s3], $0x80  }
0x9: {  	[sflag:s3] =	ssyncset.done $0x0  }
0xa: {  	[sflag:s3] =	ssyncadd.s32 $0xFFFFFF80  }
0xb: {  	v0 =	vld [tilespmem:$0x70]  }
0xc: {  	v1 =	vld [tilespmem:$0x30]  }
0xd: {  	v2 =	vld [tilespmem:$0x50]  }
0xe: {  	v3 =	vld [tilespmem:$0x40]  }
0xf: {  	s5 =	ssub.s32 $0x2, s5;
	v4 =	vld [tilespmem:$0x60]  }
0x10: {  	s8 =	sshrl.u32 s5, $0x1;
	v5 =	vld [tilespmem:$0x20];
	v0 =	vshrl.u32 v0, $0x1  }
0x11: {  	s8 =	ssub.s32 s5, s8;
	v6 =	vld [tilespmem:$0x10];
	v1 =	vshrl.u32 v1, $0x1;
	[tilespmem:$0xF0] =	vst v0  }
0x12: {  	s10 =	smax.u32 s8, $0x1;
	v58 =	vld [tilespmem:$0x0];
	v59 =	vshrl.u32 v2, $0x1;
	[tilespmem:$0xB0] =	vst v1  }
0x13: {  	p0 =	sne.s32 s10, $0x1;
	v60 =	vshrl.u32 v3, $0x1;
	[tilespmem:$0xD0] =	vst v59  }
.Ltmp0:
0x14: {  	v61 =	vshrl.u32 v4, $0x1;
	[tilespmem:$0xC0] =	vst v60;
	(pc) =	sbr.rel @!p0 .LBB2_2-.Ltmp0, $4  }
0x15: {  	v62 =	vshrl.u32 v5, $0x1;
	[tilespmem:$0xE0] =	vst v61  }
0x16: {  	s9 =	simm.s32 $0x1;
	s7 =	sshll.u32 s7, $0x4;
	v63 =	vshrl.u32 v6, $0x1;
	[tilespmem:$0xA0] =	vst v62  }
0x17: {  	s5 =	sadd.s32 $0x237A00, s6;
	s6 =	sadd.s32 s7, s6;
	s7 =	simm.s32 $0x80;
	v0 =	vshrl.u32 v58, $0x1;
	[tilespmem:$0x90] =	vst v63  }
0x18: {  	s8 =	simm.s32 $0x100;
	s6 =	sadd.s32 $0xB1000, s6;
	s10 =	sadd.s32 $0xFFFFFFFF, s10;
	[tilespmem:$0x80] =	vst v0  }
.LBB2_1:
0x19: {  	[tilespmem:s8], [sflag:$0x1] =	stream.indirect.gather [hbm4b:s5+s7], $0x80, s7, s7, $0xb8;
	[tilespmem:$0x4100] =	vst v63  }
0x1a: {  	p0 =	sne.s32 s10, $0x1;
	s10 =	sadd.s32 $0xFFFFFFFF, s10;
	_ =	swait.ge [sflag:s9], $0x4000  }
0x1b: {  	[sflag:s9] =	ssyncset.done $0x0  }
0x1c: {  	[sflag:s9] =	ssyncadd.s32 $0xFFFFC000  }
0x1d: {  	[hbm4b:s6+s2] =	stream.linear.scatter [tilespmem:s8], [sflag:$0x2], $0x4000, $0x38;
	[tilespmem:$0x4100] =	vst v63  }
0x1e: {  	_ =	swait.ge [sflag:s3], $0x4000  }
0x1f: {  	[sflag:s3] =	ssyncset.done $0x0  }
0x20: {  	[sflag:s3] =	ssyncadd.s32 $0xFFFFC000  }
0x21: {  	[tilespmem:s2], [sflag:$0x2] =	stream.linear.gather [hbm4b:s4+s2], $0x80, $0x38;
	[tilespmem:$0x4100] =	vst v63  }
0x22: {  	_ =	swait.ge [sflag:s3], $0x80  }
0x23: {  	[sflag:s3] =	ssyncset.done $0x0  }
0x24: {  	[sflag:s3] =	ssyncadd.s32 $0xFFFFFF80  }
0x25: {  	v0 =	vld [tilespmem:$0x70]  }
0x26: {  	v1 =	vld [tilespmem:$0x30]  }
0x27: {  	v2 =	vld [tilespmem:$0x50]  }
0x28: {  	v3 =	vld [tilespmem:$0x40]  }
0x29: {  	v4 =	vld [tilespmem:$0x60]  }
0x2a: {  	v5 =	vld [tilespmem:$0x20];
	v0 =	vshrl.u32 v0, $0x1  }
0x2b: {  	v6 =	vld [tilespmem:$0x10];
	v1 =	vshrl.u32 v1, $0x1;
	[tilespmem:$0xF0] =	vst v0  }
0x2c: {  	v0 =	vld [tilespmem:$0x0];
	[tilespmem:$0xB0] =	vst v1;
	v1 =	vshrl.u32 v2, $0x1  }
0x2d: {  	v2 =	vshrl.u32 v3, $0x1;
	[tilespmem:$0xD0] =	vst v1  }
.Ltmp1:
0x2e: {  	[tilespmem:$0xC0] =	vst v2;
	v1 =	vshrl.u32 v4, $0x1;
	(pc) =	sbr.rel @p0 .LBB2_1-.Ltmp1, $4  }
0x2f: {  	v2 =	vshrl.u32 v5, $0x1;
	[tilespmem:$0xE0] =	vst v1  }
0x30: {  	v1 =	vshrl.u32 v6, $0x1;
	[tilespmem:$0xA0] =	vst v2  }
0x31: {  	v0 =	vshrl.u32 v0, $0x1;
	[tilespmem:$0x90] =	vst v1  }
0x32: {  	[tilespmem:$0x80] =	vst v0  }
.LBB2_2:
0x33: {  	[tilespmem:s8], [sflag:$0x1] =	stream.indirect.gather [hbm4b:s5+s7], $0x80, s7, s7, $0xb8;
	[tilespmem:$0x4100] =	vst v63  }
0x34: {  	_ =	swait.ge [sflag:s9], $0x4000  }
0x35: {  	[sflag:s9] =	ssyncset.done $0x0  }
0x36: {  	[sflag:s9] =	ssyncadd.s32 $0xFFFFC000  }
0x37: {  	[hbm4b:s6+s2] =	stream.linear.scatter [tilespmem:s8], [sflag:$0x2], $0x4000, $0x38;
	[tilespmem:$0x4100] =	vst v63  }
0x38: {  	_ =	swait.ge [sflag:s3], $0x4000  }
0x39: {  	[sflag:s3] =	ssyncset.done $0x0  }
0x3a: {  	[sflag:s3] =	ssyncadd.s32 $0xFFFFC000  }
0x3b: {  	_ =	sfence.sel $0x180000  }
0x3c: {  	[bflag:$0x0] =	sbarrier.arrive $0xFFFF  }
0x3d: {  	p0 =	sne.s32 s0, $0x0;
	_ =	strace $0x9000004A  }
0x3e: {  	s0 =	sadd.s32 @!p0 $0x100000, s1;
	[bflag:$0x2] =	sbarrier.arrive $0xFFFF  }
0x3f: {  	[sflag:s0] =	ssyncadd.tile.s32 @!p0 $0x1;
	_ =	shalt  }
.Lfunc_end2:
_tile_overlayer_lowered:
.L_overlay_start_2:
0x40: {  	(tag) =	ssettag $0x2  }
0x41: {  	s0 =	rddreg [dreg:$0x0];
	s2 =	stileid.u32  }
0x42: {  	s1 =	rddreg [dreg:$0x1];
	p0 =	sne.s32 s2, $0x0  }
0x43: {  	s3 =	rddreg [dreg:$0x2];
	[bflag:$0x3] =	sbarrier.arrive $0xFFFF;
	s2 =	simm.s32 @!p0 $0x1C02  }
0x44: {  	[timem:s3], [sflag:s2] =	dma.local @!p0 [hbm:s0], s1  }
0x45: {  	s0 =	simm.s32 @!p0 $0x2  }
0x46: {  	_ =	swait.ge @!p0 [sflag:s0], s1  }
0x47: {  	s1 =	ssub.s32 @!p0 $0x0, s1;
	[sflag:s0] =	ssyncset.done @!p0 $0x0  }
0x48: {  	[sflag:s0] =	ssyncadd.s32 @!p0 s1  }
0x49: {  	[bflag:$0x3] =	sbarrier.arrive $0xFFFF  }
0x4a: {  	_ =	shalt  }

</sc_bundles>
